<compile_context>
chip_gen: v7x
topology: tpu7x:2x2x1
jax: 0.10.2.dev20260603
libtpu: 0.0.44.dev20260713+nightly
codegen_flags: <defaults>
</compile_context>

<pallas_src>
import functools

import jax
import jax.numpy as jnp
from jax import lax
from jax.experimental import pallas as pl
from jax.experimental.pallas import tpu as pltpu
from jax.experimental.pallas import tpu_sc as plsc

VSIZE = 100000
LENGTH = 200
BATCH = 1024
LANES = 16
LPAD = 208
NCHUNK = LPAD // LANES
NWORK = 32
CPW = BATCH // NWORK
SLAB = CPW * LPAD


def _nb2_body(xT_hbm, w_hbm, bvec_hbm, out_hbm,
              wtab_v, idx_v, wval_v, bvec_v, pred_v, sem):
    lane = jnp.arange(LANES, dtype=jnp.int32)
    nvalid = LANES - (LPAD - LENGTH)
    wid = lax.axis_index("s") * 2 + lax.axis_index("c")

    pltpu.sync_copy(xT_hbm.at[wid], idx_v)
    pltpu.sync_copy(w_hbm, wtab_v)
    pltpu.sync_copy(bvec_hbm, bvec_v)

    def fetch_body(col, carry):
        base = col * LPAD
        for c in range(NCHUNK):
            toks = idx_v[pl.ds(base + c * LANES, LANES)]
            wval_v[pl.ds(base + c * LANES, LANES)] = (
                plsc.load_gather(wtab_v, [toks]))
        return carry

    lax.fori_loop(0, CPW, fetch_body, 0)

    def col_body(col, carry):
        s_lo, s_hi = carry
        base = col * LPAD
        for c in range(NCHUNK):
            toks = idx_v[pl.ds(base + c * LANES, LANES)]
            stamp = (c * LANES + lane).astype(jnp.float32)
            if c == NCHUNK - 1:
                plsc.store_scatter(wtab_v, [toks], stamp, mask=lane < nvalid)
            else:
                plsc.store_scatter(wtab_v, [toks], stamp)
        acc = jnp.zeros((LANES,), jnp.float32)
        for c in range(NCHUNK):
            toks = idx_v[pl.ds(base + c * LANES, LANES)]
            post = plsc.load_gather(wtab_v, [toks])
            keep = post == (c * LANES + lane).astype(jnp.float32)
            if c == NCHUNK - 1:
                keep = keep & (lane < nvalid)
            wv = wval_v[pl.ds(base + c * LANES, LANES)]
            acc = acc + jnp.where(keep, wv, 0.0)
        svec = jnp.full((LANES,), jnp.sum(acc))
        s_lo = jnp.where(lane == col, svec, s_lo)
        s_hi = jnp.where(lane == col - LANES, svec, s_hi)
        return s_lo, s_hi

    zeros = jnp.zeros((LANES,), jnp.float32)
    s_lo, s_hi = lax.fori_loop(0, CPW, col_body, (zeros, zeros))

    bv = bvec_v[...]
    pred_v[pl.ds(0, LANES)] = jnp.where(
        s_lo + bv > 0.0, 1, 0).astype(jnp.int32)
    pred_v[pl.ds(LANES, LANES)] = jnp.where(
        s_hi + bv > 0.0, 1, 0).astype(jnp.int32)
    pltpu.sync_copy(pred_v, out_hbm.at[pl.ds(wid * CPW, CPW)])


def kernel(x, w, b):
    xT = jnp.pad(x.T.astype(jnp.int32), ((0, 0), (0, LPAD - LENGTH)))
    xT = xT.reshape(NWORK, SLAB)
    bvec = jnp.broadcast_to(b.astype(jnp.float32), (LANES,))
    run = functools.partial(
        pl.kernel,
        mesh=plsc.VectorSubcoreMesh(core_axis_name="c", subcore_axis_name="s"),
        out_type=jax.ShapeDtypeStruct((BATCH,), jnp.int32),
        compiler_params=pltpu.CompilerParams(needs_layout_passes=False),
        scratch_types=[
            pltpu.VMEM((VSIZE,), jnp.float32),
            pltpu.VMEM((SLAB,), jnp.int32),
            pltpu.VMEM((SLAB,), jnp.float32),
            pltpu.VMEM((LANES,), jnp.float32),
            pltpu.VMEM((NWORK,), jnp.int32),
            pltpu.SemaphoreType.DMA,
        ],
    )(_nb2_body)
    u = lax.bitcast_convert_type(w.astype(jnp.float32), jnp.uint32)
    u = (u + jnp.uint32(0x7FFF) + ((u >> 16) & jnp.uint32(1))) & jnp.uint32(
        0xFFFF0000)
    w32 = lax.bitcast_convert_type(u, jnp.float32)
    return run(xT, w32, bvec)

# --- scband reference (transcript-rebuilt; emitter-appended) ---
"""Pipeline reference for scband-nb2-5403068859011 (READ-ONLY COPY).

The authoritative reference and input builder live on the scoring server;
editing this copy changes nothing except your own understanding.
"""

import jax, jax.numpy as jnp
import numpy as np

VSIZE = 100000
LENGTH = 200
BATCH = 1024


def setup_inputs(seed: int = 0) -> dict:
    key = jax.random.key(seed)
    k1, k2 = jax.random.split(key)
    x = jax.random.randint(k1, (LENGTH, BATCH), 0, VSIZE)
    w = jax.random.normal(k2, (VSIZE,), dtype=jnp.float32) * 0.02
    b = jnp.asarray(0.1, dtype=jnp.float32)
    return {"x": x, "w": w, "b": b}


def reference(x, w, b):
    # NB2.forward: build binarized bag-of-words histogram f[vsize, batch]
    # (scatter-add of token counts, then threshold), then linear score + sign.
    vsize = w.shape[0]
    length, batch_size = x.shape
    cols = jnp.broadcast_to(jnp.arange(batch_size), (length, batch_size))
    f = jnp.zeros((vsize, batch_size), dtype=jnp.float32).at[x, cols].add(1.0)
    f = (f > 0.0).astype(jnp.float32)
    score = jnp.matmul(w, f) + b
    predict = (jnp.sign(score) > 0).astype(jnp.int32)
    return predict

if __name__ == "__main__":
    import jax
    _d = setup_inputs()
    print(jax.jit(kernel)(*tuple(_d.values())))

</pallas_src>

<mosaic_0001>
#map = affine_map<(d0, d1) -> (0, 0)>
#map1 = affine_map<(d0, d1) -> (0)>
module attributes {stable_mosaic.version = 14 : i64} {
  func.func @_nb2_body(%arg0: i32, %arg1: i32, %arg2: memref<32x6656xi32, #tpu.memory_space<hbm>>, %arg3: memref<100000xf32, #tpu.memory_space<hbm>>, %arg4: memref<16xf32, #tpu.memory_space<hbm>>, %arg5: memref<1024xi32, #tpu.memory_space<hbm>>, %arg6: memref<100000xf32, #tpu.memory_space<vmem>>, %arg7: memref<6656xi32, #tpu.memory_space<vmem>>, %arg8: memref<6656xf32, #tpu.memory_space<vmem>>, %arg9: memref<16xf32, #tpu.memory_space<vmem>>, %arg10: memref<32xi32, #tpu.memory_space<vmem>>, %arg11: memref<!tpu.dma_semaphore, #tpu.memory_space<semaphore_mem>>) attributes {dimension_semantics = [#tpu.dimension_semantics<core_parallel>, #tpu.dimension_semantics<subcore_parallel>], iteration_bounds = array<i64: 2, 16>, scalar_prefetch = 0 : i64, scratch_operands = 6 : i64, tpu.core_type = #tpu.core_type<sc_vector_subcore>, window_params = [{transform_indices = #map}, {transform_indices = #map1}, {transform_indices = #map1}, {transform_indices = #map1}]} {
    %iota3A = tpu.iota {dimensions = array<i32: 0>} : vector<16xi32>
    %mul3A = arith.constant 2 : i32
    %mul3A_0 = arith.muli %arg1, %mul3A : i32
    %add3A = arith.addi %mul3A_0, %arg0 : i32
    "tpu.region"() ({
      %run_scoped3A = tpu.sem_alloc : memref<!tpu.dma_semaphore, #tpu.memory_space<semaphore_mem>>
      %dma_start3A = arith.constant 0 : i32
      %dma_start3A_34 = tpu.memref_slice %arg2[%add3A, %dma_start3A] : memref<32x6656xi32, #tpu.memory_space<hbm>> -> memref<1x6656xi32, #tpu.memory_space<hbm>>
      %dma_start3A_35 = tpu.memref_squeeze %dma_start3A_34 : memref<1x6656xi32, #tpu.memory_space<hbm>> -> memref<6656xi32, #tpu.memory_space<hbm>>
      %dma_start3A_36 = arith.constant 0 : i32
      %dma_start3A_37 = tpu.memref_slice %arg2[%add3A, %dma_start3A_36] : memref<32x6656xi32, #tpu.memory_space<hbm>> -> memref<1x6656xi32, #tpu.memory_space<hbm>>
      %dma_start3A_38 = tpu.memref_squeeze %dma_start3A_37 : memref<1x6656xi32, #tpu.memory_space<hbm>> -> memref<6656xi32, #tpu.memory_space<hbm>>
      tpu.enqueue_dma source(%dma_start3A_38 : memref<6656xi32, #tpu.memory_space<hbm>>) target(%arg7 : memref<6656xi32, #tpu.memory_space<vmem>>) target_semaphore(%run_scoped3A : memref<!tpu.dma_semaphore, #tpu.memory_space<semaphore_mem>>)
      %dma_wait3A = arith.constant 0 : i32
      %dma_wait3A_39 = tpu.memref_slice %arg2[%add3A, %dma_wait3A] : memref<32x6656xi32, #tpu.memory_space<hbm>> -> memref<1x6656xi32, #tpu.memory_space<hbm>>
      %dma_wait3A_40 = tpu.memref_squeeze %dma_wait3A_39 : memref<1x6656xi32, #tpu.memory_space<hbm>> -> memref<6656xi32, #tpu.memory_space<hbm>>
      %dma_wait3A_41 = arith.constant 0 : i32
      %dma_wait3A_42 = tpu.memref_slice %arg2[%add3A, %dma_wait3A_41] : memref<32x6656xi32, #tpu.memory_space<hbm>> -> memref<1x6656xi32, #tpu.memory_space<hbm>>
      %dma_wait3A_43 = tpu.memref_squeeze %dma_wait3A_42 : memref<1x6656xi32, #tpu.memory_space<hbm>> -> memref<6656xi32, #tpu.memory_space<hbm>>
      tpu.wait_dma2 semaphore(%run_scoped3A : memref<!tpu.dma_semaphore, #tpu.memory_space<semaphore_mem>>) src(%dma_wait3A_43 : memref<6656xi32, #tpu.memory_space<hbm>>) dst(%arg7 : memref<6656xi32, #tpu.memory_space<vmem>>)
      tpu.yield
    }) : () -> ()
    "tpu.region"() ({
      %run_scoped3A = tpu.sem_alloc : memref<!tpu.dma_semaphore, #tpu.memory_space<semaphore_mem>>
      tpu.enqueue_dma source(%arg3 : memref<100000xf32, #tpu.memory_space<hbm>>) target(%arg6 : memref<100000xf32, #tpu.memory_space<vmem>>) target_semaphore(%run_scoped3A : memref<!tpu.dma_semaphore, #tpu.memory_space<semaphore_mem>>)
      tpu.wait_dma2 semaphore(%run_scoped3A : memref<!tpu.dma_semaphore, #tpu.memory_space<semaphore_mem>>) src(%arg3 : memref<100000xf32, #tpu.memory_space<hbm>>) dst(%arg6 : memref<100000xf32, #tpu.memory_space<vmem>>)
      tpu.yield
    }) : () -> ()
    "tpu.region"() ({
      %run_scoped3A = tpu.sem_alloc : memref<!tpu.dma_semaphore, #tpu.memory_space<semaphore_mem>>
      tpu.enqueue_dma source(%arg4 : memref<16xf32, #tpu.memory_space<hbm>>) target(%arg9 : memref<16xf32, #tpu.memory_space<vmem>>) target_semaphore(%run_scoped3A : memref<!tpu.dma_semaphore, #tpu.memory_space<semaphore_mem>>)
      tpu.wait_dma2 semaphore(%run_scoped3A : memref<!tpu.dma_semaphore, #tpu.memory_space<semaphore_mem>>) src(%arg4 : memref<16xf32, #tpu.memory_space<hbm>>) dst(%arg9 : memref<16xf32, #tpu.memory_space<vmem>>)
      tpu.yield
    }) : () -> ()
    %scan3A = arith.constant 0 : i32
    %scan3A_1 = arith.constant 0 : i32
    %scan3A_2 = arith.constant 32 : i32
    %scan3A_3 = arith.addi %scan3A_1, %scan3A_2 : i32
    %scan3A_4 = arith.constant 1 : i32
    scf.for %scan3A_34 = %scan3A_1 to %scan3A_3 step %scan3A_4  : i32 {
      %mul3A_35 = arith.constant 208 : i32
      %mul3A_36 = arith.muli %scan3A_34, %mul3A_35 : i32
      %add3A_37 = arith.constant 0 : i32
      %add3A_38 = arith.addi %mul3A_36, %add3A_37 : i32
      %get3A_39 = arith.index_cast %add3A_38 : i32 to index
      %get3A_40 = tpu.vector_load %arg7[%get3A_39] {strides = array<i32>} : memref<6656xi32, #tpu.memory_space<vmem>>, vector<16xi32>,
      %gather3A = tpu.vector_load_idx %arg6[%get3A_40] : memref<100000xf32, #tpu.memory_space<vmem>>[vector<16xi32>], vector<16xf32>,
      %add3A_41 = arith.constant 0 : i32
      %add3A_42 = arith.addi %mul3A_36, %add3A_41 : i32
      %swap3A_43 = arith.index_cast %add3A_42 : i32 to index
      %swap3A_44 = tpu.vector_load %arg8[%swap3A_43] {strides = array<i32>} : memref<6656xf32, #tpu.memory_space<vmem>>, vector<16xf32>,
      tpu.vector_store %arg8[%swap3A_43], %gather3A {strides = array<i32>} : memref<6656xf32, #tpu.memory_space<vmem>>, vector<16xf32>,
      %add3A_45 = arith.constant 16 : i32
      %add3A_46 = arith.addi %mul3A_36, %add3A_45 : i32
      %get3A_47 = arith.index_cast %add3A_46 : i32 to index
      %get3A_48 = tpu.vector_load %arg7[%get3A_47] {strides = array<i32>} : memref<6656xi32, #tpu.memory_space<vmem>>, vector<16xi32>,
      %gather3A_49 = tpu.vector_load_idx %arg6[%get3A_48] : memref<100000xf32, #tpu.memory_space<vmem>>[vector<16xi32>], vector<16xf32>,
      %add3A_50 = arith.constant 16 : i32
      %add3A_51 = arith.addi %mul3A_36, %add3A_50 : i32
      %swap3A_52 = arith.index_cast %add3A_51 : i32 to index
      %swap3A_53 = tpu.vector_load %arg8[%swap3A_52] {strides = array<i32>} : memref<6656xf32, #tpu.memory_space<vmem>>, vector<16xf32>,
      tpu.vector_store %arg8[%swap3A_52], %gather3A_49 {strides = array<i32>} : memref<6656xf32, #tpu.memory_space<vmem>>, vector<16xf32>,
      %add3A_54 = arith.constant 32 : i32
      %add3A_55 = arith.addi %mul3A_36, %add3A_54 : i32
      %get3A_56 = arith.index_cast %add3A_55 : i32 to index
      %get3A_57 = tpu.vector_load %arg7[%get3A_56] {strides = array<i32>} : memref<6656xi32, #tpu.memory_space<vmem>>, vector<16xi32>,
      %gather3A_58 = tpu.vector_load_idx %arg6[%get3A_57] : memref<100000xf32, #tpu.memory_space<vmem>>[vector<16xi32>], vector<16xf32>,
      %add3A_59 = arith.constant 32 : i32
      %add3A_60 = arith.addi %mul3A_36, %add3A_59 : i32
      %swap3A_61 = arith.index_cast %add3A_60 : i32 to index
      %swap3A_62 = tpu.vector_load %arg8[%swap3A_61] {strides = array<i32>} : memref<6656xf32, #tpu.memory_space<vmem>>, vector<16xf32>,
      tpu.vector_store %arg8[%swap3A_61], %gather3A_58 {strides = array<i32>} : memref<6656xf32, #tpu.memory_space<vmem>>, vector<16xf32>,
      %add3A_63 = arith.constant 48 : i32
      %add3A_64 = arith.addi %mul3A_36, %add3A_63 : i32
      %get3A_65 = arith.index_cast %add3A_64 : i32 to index
      %get3A_66 = tpu.vector_load %arg7[%get3A_65] {strides = array<i32>} : memref<6656xi32, #tpu.memory_space<vmem>>, vector<16xi32>,
      %gather3A_67 = tpu.vector_load_idx %arg6[%get3A_66] : memref<100000xf32, #tpu.memory_space<vmem>>[vector<16xi32>], vector<16xf32>,
      %add3A_68 = arith.constant 48 : i32
      %add3A_69 = arith.addi %mul3A_36, %add3A_68 : i32
      %swap3A_70 = arith.index_cast %add3A_69 : i32 to index
      %swap3A_71 = tpu.vector_load %arg8[%swap3A_70] {strides = array<i32>} : memref<6656xf32, #tpu.memory_space<vmem>>, vector<16xf32>,
      tpu.vector_store %arg8[%swap3A_70], %gather3A_67 {strides = array<i32>} : memref<6656xf32, #tpu.memory_space<vmem>>, vector<16xf32>,
      %add3A_72 = arith.constant 64 : i32
      %add3A_73 = arith.addi %mul3A_36, %add3A_72 : i32
      %get3A_74 = arith.index_cast %add3A_73 : i32 to index
      %get3A_75 = tpu.vector_load %arg7[%get3A_74] {strides = array<i32>} : memref<6656xi32, #tpu.memory_space<vmem>>, vector<16xi32>,
      %gather3A_76 = tpu.vector_load_idx %arg6[%get3A_75] : memref<100000xf32, #tpu.memory_space<vmem>>[vector<16xi32>], vector<16xf32>,
      %add3A_77 = arith.constant 64 : i32
      %add3A_78 = arith.addi %mul3A_36, %add3A_77 : i32
      %swap3A_79 = arith.index_cast %add3A_78 : i32 to index
      %swap3A_80 = tpu.vector_load %arg8[%swap3A_79] {strides = array<i32>} : memref<6656xf32, #tpu.memory_space<vmem>>, vector<16xf32>,
      tpu.vector_store %arg8[%swap3A_79], %gather3A_76 {strides = array<i32>} : memref<6656xf32, #tpu.memory_space<vmem>>, vector<16xf32>,
      %add3A_81 = arith.constant 80 : i32
      %add3A_82 = arith.addi %mul3A_36, %add3A_81 : i32
      %get3A_83 = arith.index_cast %add3A_82 : i32 to index
      %get3A_84 = tpu.vector_load %arg7[%get3A_83] {strides = array<i32>} : memref<6656xi32, #tpu.memory_space<vmem>>, vector<16xi32>,
      %gather3A_85 = tpu.vector_load_idx %arg6[%get3A_84] : memref<100000xf32, #tpu.memory_space<vmem>>[vector<16xi32>], vector<16xf32>,
      %add3A_86 = arith.constant 80 : i32
      %add3A_87 = arith.addi %mul3A_36, %add3A_86 : i32
      %swap3A_88 = arith.index_cast %add3A_87 : i32 to index
      %swap3A_89 = tpu.vector_load %arg8[%swap3A_88] {strides = array<i32>} : memref<6656xf32, #tpu.memory_space<vmem>>, vector<16xf32>,
      tpu.vector_store %arg8[%swap3A_88], %gather3A_85 {strides = array<i32>} : memref<6656xf32, #tpu.memory_space<vmem>>, vector<16xf32>,
      %add3A_90 = arith.constant 96 : i32
      %add3A_91 = arith.addi %mul3A_36, %add3A_90 : i32
      %get3A_92 = arith.index_cast %add3A_91 : i32 to index
      %get3A_93 = tpu.vector_load %arg7[%get3A_92] {strides = array<i32>} : memref<6656xi32, #tpu.memory_space<vmem>>, vector<16xi32>,
      %gather3A_94 = tpu.vector_load_idx %arg6[%get3A_93] : memref<100000xf32, #tpu.memory_space<vmem>>[vector<16xi32>], vector<16xf32>,
      %add3A_95 = arith.constant 96 : i32
      %add3A_96 = arith.addi %mul3A_36, %add3A_95 : i32
      %swap3A_97 = arith.index_cast %add3A_96 : i32 to index
      %swap3A_98 = tpu.vector_load %arg8[%swap3A_97] {strides = array<i32>} : memref<6656xf32, #tpu.memory_space<vmem>>, vector<16xf32>,
      tpu.vector_store %arg8[%swap3A_97], %gather3A_94 {strides = array<i32>} : memref<6656xf32, #tpu.memory_space<vmem>>, vector<16xf32>,
      %add3A_99 = arith.constant 112 : i32
      %add3A_100 = arith.addi %mul3A_36, %add3A_99 : i32
      %get3A_101 = arith.index_cast %add3A_100 : i32 to index
      %get3A_102 = tpu.vector_load %arg7[%get3A_101] {strides = array<i32>} : memref<6656xi32, #tpu.memory_space<vmem>>, vector<16xi32>,
      %gather3A_103 = tpu.vector_load_idx %arg6[%get3A_102] : memref<100000xf32, #tpu.memory_space<vmem>>[vector<16xi32>], vector<16xf32>,
      %add3A_104 = arith.constant 112 : i32
      %add3A_105 = arith.addi %mul3A_36, %add3A_104 : i32
      %swap3A_106 = arith.index_cast %add3A_105 : i32 to index
      %swap3A_107 = tpu.vector_load %arg8[%swap3A_106] {strides = array<i32>} : memref<6656xf32, #tpu.memory_space<vmem>>, vector<16xf32>,
      tpu.vector_store %arg8[%swap3A_106], %gather3A_103 {strides = array<i32>} : memref<6656xf32, #tpu.memory_space<vmem>>, vector<16xf32>,
      %add3A_108 = arith.constant 128 : i32
      %add3A_109 = arith.addi %mul3A_36, %add3A_108 : i32
      %get3A_110 = arith.index_cast %add3A_109 : i32 to index
      %get3A_111 = tpu.vector_load %arg7[%get3A_110] {strides = array<i32>} : memref<6656xi32, #tpu.memory_space<vmem>>, vector<16xi32>,
      %gather3A_112 = tpu.vector_load_idx %arg6[%get3A_111] : memref<100000xf32, #tpu.memory_space<vmem>>[vector<16xi32>], vector<16xf32>,
      %add3A_113 = arith.constant 128 : i32
      %add3A_114 = arith.addi %mul3A_36, %add3A_113 : i32
      %swap3A_115 = arith.index_cast %add3A_114 : i32 to index
      %swap3A_116 = tpu.vector_load %arg8[%swap3A_115] {strides = array<i32>} : memref<6656xf32, #tpu.memory_space<vmem>>, vector<16xf32>,
      tpu.vector_store %arg8[%swap3A_115], %gather3A_112 {strides = array<i32>} : memref<6656xf32, #tpu.memory_space<vmem>>, vector<16xf32>,
      %add3A_117 = arith.constant 144 : i32
      %add3A_118 = arith.addi %mul3A_36, %add3A_117 : i32
      %get3A_119 = arith.index_cast %add3A_118 : i32 to index
      %get3A_120 = tpu.vector_load %arg7[%get3A_119] {strides = array<i32>} : memref<6656xi32, #tpu.memory_space<vmem>>, vector<16xi32>,
      %gather3A_121 = tpu.vector_load_idx %arg6[%get3A_120] : memref<100000xf32, #tpu.memory_space<vmem>>[vector<16xi32>], vector<16xf32>,
      %add3A_122 = arith.constant 144 : i32
      %add3A_123 = arith.addi %mul3A_36, %add3A_122 : i32
      %swap3A_124 = arith.index_cast %add3A_123 : i32 to index
      %swap3A_125 = tpu.vector_load %arg8[%swap3A_124] {strides = array<i32>} : memref<6656xf32, #tpu.memory_space<vmem>>, vector<16xf32>,
      tpu.vector_store %arg8[%swap3A_124], %gather3A_121 {strides = array<i32>} : memref<6656xf32, #tpu.memory_space<vmem>>, vector<16xf32>,
      %add3A_126 = arith.constant 160 : i32
      %add3A_127 = arith.addi %mul3A_36, %add3A_126 : i32
      %get3A_128 = arith.index_cast %add3A_127 : i32 to index
      %get3A_129 = tpu.vector_load %arg7[%get3A_128] {strides = array<i32>} : memref<6656xi32, #tpu.memory_space<vmem>>, vector<16xi32>,
      %gather3A_130 = tpu.vector_load_idx %arg6[%get3A_129] : memref<100000xf32, #tpu.memory_space<vmem>>[vector<16xi32>], vector<16xf32>,
      %add3A_131 = arith.constant 160 : i32
      %add3A_132 = arith.addi %mul3A_36, %add3A_131 : i32
      %swap3A_133 = arith.index_cast %add3A_132 : i32 to index
      %swap3A_134 = tpu.vector_load %arg8[%swap3A_133] {strides = array<i32>} : memref<6656xf32, #tpu.memory_space<vmem>>, vector<16xf32>,
      tpu.vector_store %arg8[%swap3A_133], %gather3A_130 {strides = array<i32>} : memref<6656xf32, #tpu.memory_space<vmem>>, vector<16xf32>,
      %add3A_135 = arith.constant 176 : i32
      %add3A_136 = arith.addi %mul3A_36, %add3A_135 : i32
      %get3A_137 = arith.index_cast %add3A_136 : i32 to index
      %get3A_138 = tpu.vector_load %arg7[%get3A_137] {strides = array<i32>} : memref<6656xi32, #tpu.memory_space<vmem>>, vector<16xi32>,
      %gather3A_139 = tpu.vector_load_idx %arg6[%get3A_138] : memref<100000xf32, #tpu.memory_space<vmem>>[vector<16xi32>], vector<16xf32>,
      %add3A_140 = arith.constant 176 : i32
      %add3A_141 = arith.addi %mul3A_36, %add3A_140 : i32
      %swap3A_142 = arith.index_cast %add3A_141 : i32 to index
      %swap3A_143 = tpu.vector_load %arg8[%swap3A_142] {strides = array<i32>} : memref<6656xf32, #tpu.memory_space<vmem>>, vector<16xf32>,
      tpu.vector_store %arg8[%swap3A_142], %gather3A_139 {strides = array<i32>} : memref<6656xf32, #tpu.memory_space<vmem>>, vector<16xf32>,
      %add3A_144 = arith.constant 192 : i32
      %add3A_145 = arith.addi %mul3A_36, %add3A_144 : i32
      %get3A_146 = arith.index_cast %add3A_145 : i32 to index
      %get3A_147 = tpu.vector_load %arg7[%get3A_146] {strides = array<i32>} : memref<6656xi32, #tpu.memory_space<vmem>>, vector<16xi32>,
      %gather3A_148 = tpu.vector_load_idx %arg6[%get3A_147] : memref<100000xf32, #tpu.memory_space<vmem>>[vector<16xi32>], vector<16xf32>,
      %add3A_149 = arith.constant 192 : i32
      %add3A_150 = arith.addi %mul3A_36, %add3A_149 : i32
      %swap3A_151 = arith.index_cast %add3A_150 : i32 to index
      %swap3A_152 = tpu.vector_load %arg8[%swap3A_151] {strides = array<i32>} : memref<6656xf32, #tpu.memory_space<vmem>>, vector<16xf32>,
      tpu.vector_store %arg8[%swap3A_151], %gather3A_148 {strides = array<i32>} : memref<6656xf32, #tpu.memory_space<vmem>>, vector<16xf32>,
    }
    %scan3A_5 = arith.constant 32 : i32
    %broadcast_in_dim3A = arith.constant 0.000000e+00 : f32
    %broadcast_in_dim3A_6 = vector.broadcast %broadcast_in_dim3A : f32 to vector<16xf32>
    %scan3A_7 = arith.constant 0 : i32
    %scan3A_8 = arith.constant 32 : i32
    %scan3A_9 = arith.addi %scan3A_7, %scan3A_8 : i32
    %scan3A_10 = arith.constant 1 : i32
    %scan3A_11:2 = scf.for %scan3A_34 = %scan3A_7 to %scan3A_9 step %scan3A_10 iter_args(%scan3A_35 = %broadcast_in_dim3A_6, %scan3A_36 = %broadcast_in_dim3A_6) -> (vector<16xf32>, vector<16xf32>)  : i32 {
      %mul3A_37 = arith.constant 208 : i32
      %mul3A_38 = arith.muli %scan3A_34, %mul3A_37 : i32
      %add3A_39 = arith.constant 0 : i32
      %add3A_40 = arith.addi %mul3A_38, %add3A_39 : i32
      %get3A_41 = arith.index_cast %add3A_40 : i32 to index
      %get3A_42 = tpu.vector_load %arg7[%get3A_41] {strides = array<i32>} : memref<6656xi32, #tpu.memory_space<vmem>>, vector<16xi32>,
      %add3A_43 = arith.constant 0 : i32
      %add3A_44 = vector.broadcast %add3A_43 : i32 to vector<16xi32>
      %add3A_45 = arith.addi %add3A_44, %iota3A : vector<16xi32>
      %convert_element_type3A = arith.sitofp %add3A_45 : vector<16xi32> to vector<16xf32>
      tpu.vector_store_idx %arg6[%get3A_42], %convert_element_type3A : memref<100000xf32, #tpu.memory_space<vmem>>[vector<16xi32>], vector<16xf32>,
      %add3A_46 = arith.constant 16 : i32
      %add3A_47 = arith.addi %mul3A_38, %add3A_46 : i32
      %get3A_48 = arith.index_cast %add3A_47 : i32 to index
      %get3A_49 = tpu.vector_load %arg7[%get3A_48] {strides = array<i32>} : memref<6656xi32, #tpu.memory_space<vmem>>, vector<16xi32>,
      %add3A_50 = arith.constant 16 : i32
      %add3A_51 = vector.broadcast %add3A_50 : i32 to vector<16xi32>
      %add3A_52 = arith.addi %add3A_51, %iota3A : vector<16xi32>
      %convert_element_type3A_53 = arith.sitofp %add3A_52 : vector<16xi32> to vector<16xf32>
      tpu.vector_store_idx %arg6[%get3A_49], %convert_element_type3A_53 : memref<100000xf32, #tpu.memory_space<vmem>>[vector<16xi32>], vector<16xf32>,
      %add3A_54 = arith.constant 32 : i32
      %add3A_55 = arith.addi %mul3A_38, %add3A_54 : i32
      %get3A_56 = arith.index_cast %add3A_55 : i32 to index
      %get3A_57 = tpu.vector_load %arg7[%get3A_56] {strides = array<i32>} : memref<6656xi32, #tpu.memory_space<vmem>>, vector<16xi32>,
      %add3A_58 = arith.constant 32 : i32
      %add3A_59 = vector.broadcast %add3A_58 : i32 to vector<16xi32>
      %add3A_60 = arith.addi %add3A_59, %iota3A : vector<16xi32>
      %convert_element_type3A_61 = arith.sitofp %add3A_60 : vector<16xi32> to vector<16xf32>
      tpu.vector_store_idx %arg6[%get3A_57], %convert_element_type3A_61 : memref<100000xf32, #tpu.memory_space<vmem>>[vector<16xi32>], vector<16xf32>,
      %add3A_62 = arith.constant 48 : i32
      %add3A_63 = arith.addi %mul3A_38, %add3A_62 : i32
      %get3A_64 = arith.index_cast %add3A_63 : i32 to index
      %get3A_65 = tpu.vector_load %arg7[%get3A_64] {strides = array<i32>} : memref<6656xi32, #tpu.memory_space<vmem>>, vector<16xi32>,
      %add3A_66 = arith.constant 48 : i32
      %add3A_67 = vector.broadcast %add3A_66 : i32 to vector<16xi32>
      %add3A_68 = arith.addi %add3A_67, %iota3A : vector<16xi32>
      %convert_element_type3A_69 = arith.sitofp %add3A_68 : vector<16xi32> to vector<16xf32>
      tpu.vector_store_idx %arg6[%get3A_65], %convert_element_type3A_69 : memref<100000xf32, #tpu.memory_space<vmem>>[vector<16xi32>], vector<16xf32>,
      %add3A_70 = arith.constant 64 : i32
      %add3A_71 = arith.addi %mul3A_38, %add3A_70 : i32
      %get3A_72 = arith.index_cast %add3A_71 : i32 to index
      %get3A_73 = tpu.vector_load %arg7[%get3A_72] {strides = array<i32>} : memref<6656xi32, #tpu.memory_space<vmem>>, vector<16xi32>,
      %add3A_74 = arith.constant 64 : i32
      %add3A_75 = vector.broadcast %add3A_74 : i32 to vector<16xi32>
      %add3A_76 = arith.addi %add3A_75, %iota3A : vector<16xi32>
      %convert_element_type3A_77 = arith.sitofp %add3A_76 : vector<16xi32> to vector<16xf32>
      tpu.vector_store_idx %arg6[%get3A_73], %convert_element_type3A_77 : memref<100000xf32, #tpu.memory_space<vmem>>[vector<16xi32>], vector<16xf32>,
      %add3A_78 = arith.constant 80 : i32
      %add3A_79 = arith.addi %mul3A_38, %add3A_78 : i32
      %get3A_80 = arith.index_cast %add3A_79 : i32 to index
      %get3A_81 = tpu.vector_load %arg7[%get3A_80] {strides = array<i32>} : memref<6656xi32, #tpu.memory_space<vmem>>, vector<16xi32>,
      %add3A_82 = arith.constant 80 : i32
      %add3A_83 = vector.broadcast %add3A_82 : i32 to vector<16xi32>
      %add3A_84 = arith.addi %add3A_83, %iota3A : vector<16xi32>
      %convert_element_type3A_85 = arith.sitofp %add3A_84 : vector<16xi32> to vector<16xf32>
      tpu.vector_store_idx %arg6[%get3A_81], %convert_element_type3A_85 : memref<100000xf32, #tpu.memory_space<vmem>>[vector<16xi32>], vector<16xf32>,
      %add3A_86 = arith.constant 96 : i32
      %add3A_87 = arith.addi %mul3A_38, %add3A_86 : i32
      %get3A_88 = arith.index_cast %add3A_87 : i32 to index
      %get3A_89 = tpu.vector_load %arg7[%get3A_88] {strides = array<i32>} : memref<6656xi32, #tpu.memory_space<vmem>>, vector<16xi32>,
      %add3A_90 = arith.constant 96 : i32
      %add3A_91 = vector.broadcast %add3A_90 : i32 to vector<16xi32>
      %add3A_92 = arith.addi %add3A_91, %iota3A : vector<16xi32>
      %convert_element_type3A_93 = arith.sitofp %add3A_92 : vector<16xi32> to vector<16xf32>
      tpu.vector_store_idx %arg6[%get3A_89], %convert_element_type3A_93 : memref<100000xf32, #tpu.memory_space<vmem>>[vector<16xi32>], vector<16xf32>,
      %add3A_94 = arith.constant 112 : i32
      %add3A_95 = arith.addi %mul3A_38, %add3A_94 : i32
      %get3A_96 = arith.index_cast %add3A_95 : i32 to index
      %get3A_97 = tpu.vector_load %arg7[%get3A_96] {strides = array<i32>} : memref<6656xi32, #tpu.memory_space<vmem>>, vector<16xi32>,
      %add3A_98 = arith.constant 112 : i32
      %add3A_99 = vector.broadcast %add3A_98 : i32 to vector<16xi32>
      %add3A_100 = arith.addi %add3A_99, %iota3A : vector<16xi32>
      %convert_element_type3A_101 = arith.sitofp %add3A_100 : vector<16xi32> to vector<16xf32>
      tpu.vector_store_idx %arg6[%get3A_97], %convert_element_type3A_101 : memref<100000xf32, #tpu.memory_space<vmem>>[vector<16xi32>], vector<16xf32>,
      %add3A_102 = arith.constant 128 : i32
      %add3A_103 = arith.addi %mul3A_38, %add3A_102 : i32
      %get3A_104 = arith.index_cast %add3A_103 : i32 to index
      %get3A_105 = tpu.vector_load %arg7[%get3A_104] {strides = array<i32>} : memref<6656xi32, #tpu.memory_space<vmem>>, vector<16xi32>,
      %add3A_106 = arith.constant 128 : i32
      %add3A_107 = vector.broadcast %add3A_106 : i32 to vector<16xi32>
      %add3A_108 = arith.addi %add3A_107, %iota3A : vector<16xi32>
      %convert_element_type3A_109 = arith.sitofp %add3A_108 : vector<16xi32> to vector<16xf32>
      tpu.vector_store_idx %arg6[%get3A_105], %convert_element_type3A_109 : memref<100000xf32, #tpu.memory_space<vmem>>[vector<16xi32>], vector<16xf32>,
      %add3A_110 = arith.constant 144 : i32
      %add3A_111 = arith.addi %mul3A_38, %add3A_110 : i32
      %get3A_112 = arith.index_cast %add3A_111 : i32 to index
      %get3A_113 = tpu.vector_load %arg7[%get3A_112] {strides = array<i32>} : memref<6656xi32, #tpu.memory_space<vmem>>, vector<16xi32>,
      %add3A_114 = arith.constant 144 : i32
      %add3A_115 = vector.broadcast %add3A_114 : i32 to vector<16xi32>
      %add3A_116 = arith.addi %add3A_115, %iota3A : vector<16xi32>
      %convert_element_type3A_117 = arith.sitofp %add3A_116 : vector<16xi32> to vector<16xf32>
      tpu.vector_store_idx %arg6[%get3A_113], %convert_element_type3A_117 : memref<100000xf32, #tpu.memory_space<vmem>>[vector<16xi32>], vector<16xf32>,
      %add3A_118 = arith.constant 160 : i32
      %add3A_119 = arith.addi %mul3A_38, %add3A_118 : i32
      %get3A_120 = arith.index_cast %add3A_119 : i32 to index
      %get3A_121 = tpu.vector_load %arg7[%get3A_120] {strides = array<i32>} : memref<6656xi32, #tpu.memory_space<vmem>>, vector<16xi32>,
      %add3A_122 = arith.constant 160 : i32
      %add3A_123 = vector.broadcast %add3A_122 : i32 to vector<16xi32>
      %add3A_124 = arith.addi %add3A_123, %iota3A : vector<16xi32>
      %convert_element_type3A_125 = arith.sitofp %add3A_124 : vector<16xi32> to vector<16xf32>
      tpu.vector_store_idx %arg6[%get3A_121], %convert_element_type3A_125 : memref<100000xf32, #tpu.memory_space<vmem>>[vector<16xi32>], vector<16xf32>,
      %add3A_126 = arith.constant 176 : i32
      %add3A_127 = arith.addi %mul3A_38, %add3A_126 : i32
      %get3A_128 = arith.index_cast %add3A_127 : i32 to index
      %get3A_129 = tpu.vector_load %arg7[%get3A_128] {strides = array<i32>} : memref<6656xi32, #tpu.memory_space<vmem>>, vector<16xi32>,
      %add3A_130 = arith.constant 176 : i32
      %add3A_131 = vector.broadcast %add3A_130 : i32 to vector<16xi32>
      %add3A_132 = arith.addi %add3A_131, %iota3A : vector<16xi32>
      %convert_element_type3A_133 = arith.sitofp %add3A_132 : vector<16xi32> to vector<16xf32>
      tpu.vector_store_idx %arg6[%get3A_129], %convert_element_type3A_133 : memref<100000xf32, #tpu.memory_space<vmem>>[vector<16xi32>], vector<16xf32>,
      %add3A_134 = arith.constant 192 : i32
      %add3A_135 = arith.addi %mul3A_38, %add3A_134 : i32
      %get3A_136 = arith.index_cast %add3A_135 : i32 to index
      %get3A_137 = tpu.vector_load %arg7[%get3A_136] {strides = array<i32>} : memref<6656xi32, #tpu.memory_space<vmem>>, vector<16xi32>,
      %add3A_138 = arith.constant 192 : i32
      %add3A_139 = vector.broadcast %add3A_138 : i32 to vector<16xi32>
      %add3A_140 = arith.addi %add3A_139, %iota3A : vector<16xi32>
      %convert_element_type3A_141 = arith.sitofp %add3A_140 : vector<16xi32> to vector<16xf32>
      %lt3A = arith.constant 8 : i32
      %lt3A_142 = vector.broadcast %lt3A : i32 to vector<16xi32>
      %lt3A_143 = arith.cmpi slt, %iota3A, %lt3A_142 : vector<16xi32>
      tpu.vector_store_idx %arg6[%get3A_137], %convert_element_type3A_141 masked %lt3A_143 : memref<100000xf32, #tpu.memory_space<vmem>>[vector<16xi32>], vector<16xf32>, vector<16xi1>
      %broadcast_in_dim3A_144 = arith.constant 0.000000e+00 : f32
      %broadcast_in_dim3A_145 = vector.broadcast %broadcast_in_dim3A_144 : f32 to vector<16xf32>
      %add3A_146 = arith.constant 0 : i32
      %add3A_147 = arith.addi %mul3A_38, %add3A_146 : i32
      %get3A_148 = arith.index_cast %add3A_147 : i32 to index
      %get3A_149 = tpu.vector_load %arg7[%get3A_148] {strides = array<i32>} : memref<6656xi32, #tpu.memory_space<vmem>>, vector<16xi32>,
      %gather3A = tpu.vector_load_idx %arg6[%get3A_149] : memref<100000xf32, #tpu.memory_space<vmem>>[vector<16xi32>], vector<16xf32>,
      %add3A_150 = arith.constant 0 : i32
      %add3A_151 = vector.broadcast %add3A_150 : i32 to vector<16xi32>
      %add3A_152 = arith.addi %add3A_151, %iota3A : vector<16xi32>
      %convert_element_type3A_153 = arith.sitofp %add3A_152 : vector<16xi32> to vector<16xf32>
      %eq3A = arith.cmpf oeq, %gather3A, %convert_element_type3A_153 : vector<16xf32>
      %add3A_154 = arith.constant 0 : i32
      %add3A_155 = arith.addi %mul3A_38, %add3A_154 : i32
      %get3A_156 = arith.index_cast %add3A_155 : i32 to index
      %get3A_157 = tpu.vector_load %arg8[%get3A_156] {strides = array<i32>} : memref<6656xf32, #tpu.memory_space<vmem>>, vector<16xf32>,
      %jit3A_158 = arith.constant 0.000000e+00 : f32
      %broadcast_in_dim3A_159 = vector.broadcast %jit3A_158 : f32 to vector<16xf32>
      %select_n3A_160 = arith.select %eq3A, %get3A_157, %broadcast_in_dim3A_159 : vector<16xi1>, vector<16xf32>
      %add3A_161 = arith.addf %broadcast_in_dim3A_145, %select_n3A_160 : vector<16xf32>
      %add3A_162 = arith.constant 16 : i32
      %add3A_163 = arith.addi %mul3A_38, %add3A_162 : i32
      %get3A_164 = arith.index_cast %add3A_163 : i32 to index
      %get3A_165 = tpu.vector_load %arg7[%get3A_164] {strides = array<i32>} : memref<6656xi32, #tpu.memory_space<vmem>>, vector<16xi32>,
      %gather3A_166 = tpu.vector_load_idx %arg6[%get3A_165] : memref<100000xf32, #tpu.memory_space<vmem>>[vector<16xi32>], vector<16xf32>,
      %add3A_167 = arith.constant 16 : i32
      %add3A_168 = vector.broadcast %add3A_167 : i32 to vector<16xi32>
      %add3A_169 = arith.addi %add3A_168, %iota3A : vector<16xi32>
      %convert_element_type3A_170 = arith.sitofp %add3A_169 : vector<16xi32> to vector<16xf32>
      %eq3A_171 = arith.cmpf oeq, %gather3A_166, %convert_element_type3A_170 : vector<16xf32>
      %add3A_172 = arith.constant 16 : i32
      %add3A_173 = arith.addi %mul3A_38, %add3A_172 : i32
      %get3A_174 = arith.index_cast %add3A_173 : i32 to index
      %get3A_175 = tpu.vector_load %arg8[%get3A_174] {strides = array<i32>} : memref<6656xf32, #tpu.memory_space<vmem>>, vector<16xf32>,
      %jit3A_176 = arith.constant 0.000000e+00 : f32
      %broadcast_in_dim3A_177 = vector.broadcast %jit3A_176 : f32 to vector<16xf32>
      %select_n3A_178 = arith.select %eq3A_171, %get3A_175, %broadcast_in_dim3A_177 : vector<16xi1>, vector<16xf32>
      %add3A_179 = arith.addf %add3A_161, %select_n3A_178 : vector<16xf32>
      %add3A_180 = arith.constant 32 : i32
      %add3A_181 = arith.addi %mul3A_38, %add3A_180 : i32
      %get3A_182 = arith.index_cast %add3A_181 : i32 to index
      %get3A_183 = tpu.vector_load %arg7[%get3A_182] {strides = array<i32>} : memref<6656xi32, #tpu.memory_space<vmem>>, vector<16xi32>,
      %gather3A_184 = tpu.vector_load_idx %arg6[%get3A_183] : memref<100000xf32, #tpu.memory_space<vmem>>[vector<16xi32>], vector<16xf32>,
      %add3A_185 = arith.constant 32 : i32
      %add3A_186 = vector.broadcast %add3A_185 : i32 to vector<16xi32>
      %add3A_187 = arith.addi %add3A_186, %iota3A : vector<16xi32>
      %convert_element_type3A_188 = arith.sitofp %add3A_187 : vector<16xi32> to vector<16xf32>
      %eq3A_189 = arith.cmpf oeq, %gather3A_184, %convert_element_type3A_188 : vector<16xf32>
      %add3A_190 = arith.constant 32 : i32
      %add3A_191 = arith.addi %mul3A_38, %add3A_190 : i32
      %get3A_192 = arith.index_cast %add3A_191 : i32 to index
      %get3A_193 = tpu.vector_load %arg8[%get3A_192] {strides = array<i32>} : memref<6656xf32, #tpu.memory_space<vmem>>, vector<16xf32>,
      %jit3A_194 = arith.constant 0.000000e+00 : f32
      %broadcast_in_dim3A_195 = vector.broadcast %jit3A_194 : f32 to vector<16xf32>
      %select_n3A_196 = arith.select %eq3A_189, %get3A_193, %broadcast_in_dim3A_195 : vector<16xi1>, vector<16xf32>
      %add3A_197 = arith.addf %add3A_179, %select_n3A_196 : vector<16xf32>
      %add3A_198 = arith.constant 48 : i32
      %add3A_199 = arith.addi %mul3A_38, %add3A_198 : i32
      %get3A_200 = arith.index_cast %add3A_199 : i32 to index
      %get3A_201 = tpu.vector_load %arg7[%get3A_200] {strides = array<i32>} : memref<6656xi32, #tpu.memory_space<vmem>>, vector<16xi32>,
      %gather3A_202 = tpu.vector_load_idx %arg6[%get3A_201] : memref<100000xf32, #tpu.memory_space<vmem>>[vector<16xi32>], vector<16xf32>,
      %add3A_203 = arith.constant 48 : i32
      %add3A_204 = vector.broadcast %add3A_203 : i32 to vector<16xi32>
      %add3A_205 = arith.addi %add3A_204, %iota3A : vector<16xi32>
      %convert_element_type3A_206 = arith.sitofp %add3A_205 : vector<16xi32> to vector<16xf32>
      %eq3A_207 = arith.cmpf oeq, %gather3A_202, %convert_element_type3A_206 : vector<16xf32>
      %add3A_208 = arith.constant 48 : i32
      %add3A_209 = arith.addi %mul3A_38, %add3A_208 : i32
      %get3A_210 = arith.index_cast %add3A_209 : i32 to index
      %get3A_211 = tpu.vector_load %arg8[%get3A_210] {strides = array<i32>} : memref<6656xf32, #tpu.memory_space<vmem>>, vector<16xf32>,
      %jit3A_212 = arith.constant 0.000000e+00 : f32
      %broadcast_in_dim3A_213 = vector.broadcast %jit3A_212 : f32 to vector<16xf32>
      %select_n3A_214 = arith.select %eq3A_207, %get3A_211, %broadcast_in_dim3A_213 : vector<16xi1>, vector<16xf32>
      %add3A_215 = arith.addf %add3A_197, %select_n3A_214 : vector<16xf32>
      %add3A_216 = arith.constant 64 : i32
      %add3A_217 = arith.addi %mul3A_38, %add3A_216 : i32
      %get3A_218 = arith.index_cast %add3A_217 : i32 to index
      %get3A_219 = tpu.vector_load %arg7[%get3A_218] {strides = array<i32>} : memref<6656xi32, #tpu.memory_space<vmem>>, vector<16xi32>,
      %gather3A_220 = tpu.vector_load_idx %arg6[%get3A_219] : memref<100000xf32, #tpu.memory_space<vmem>>[vector<16xi32>], vector<16xf32>,
      %add3A_221 = arith.constant 64 : i32
      %add3A_222 = vector.broadcast %add3A_221 : i32 to vector<16xi32>
      %add3A_223 = arith.addi %add3A_222, %iota3A : vector<16xi32>
      %convert_element_type3A_224 = arith.sitofp %add3A_223 : vector<16xi32> to vector<16xf32>
      %eq3A_225 = arith.cmpf oeq, %gather3A_220, %convert_element_type3A_224 : vector<16xf32>
      %add3A_226 = arith.constant 64 : i32
      %add3A_227 = arith.addi %mul3A_38, %add3A_226 : i32
      %get3A_228 = arith.index_cast %add3A_227 : i32 to index
      %get3A_229 = tpu.vector_load %arg8[%get3A_228] {strides = array<i32>} : memref<6656xf32, #tpu.memory_space<vmem>>, vector<16xf32>,
      %jit3A_230 = arith.constant 0.000000e+00 : f32
      %broadcast_in_dim3A_231 = vector.broadcast %jit3A_230 : f32 to vector<16xf32>
      %select_n3A_232 = arith.select %eq3A_225, %get3A_229, %broadcast_in_dim3A_231 : vector<16xi1>, vector<16xf32>
      %add3A_233 = arith.addf %add3A_215, %select_n3A_232 : vector<16xf32>
      %add3A_234 = arith.constant 80 : i32
      %add3A_235 = arith.addi %mul3A_38, %add3A_234 : i32
      %get3A_236 = arith.index_cast %add3A_235 : i32 to index
      %get3A_237 = tpu.vector_load %arg7[%get3A_236] {strides = array<i32>} : memref<6656xi32, #tpu.memory_space<vmem>>, vector<16xi32>,
      %gather3A_238 = tpu.vector_load_idx %arg6[%get3A_237] : memref<100000xf32, #tpu.memory_space<vmem>>[vector<16xi32>], vector<16xf32>,
      %add3A_239 = arith.constant 80 : i32
      %add3A_240 = vector.broadcast %add3A_239 : i32 to vector<16xi32>
      %add3A_241 = arith.addi %add3A_240, %iota3A : vector<16xi32>
      %convert_element_type3A_242 = arith.sitofp %add3A_241 : vector<16xi32> to vector<16xf32>
      %eq3A_243 = arith.cmpf oeq, %gather3A_238, %convert_element_type3A_242 : vector<16xf32>
      %add3A_244 = arith.constant 80 : i32
      %add3A_245 = arith.addi %mul3A_38, %add3A_244 : i32
      %get3A_246 = arith.index_cast %add3A_245 : i32 to index
      %get3A_247 = tpu.vector_load %arg8[%get3A_246] {strides = array<i32>} : memref<6656xf32, #tpu.memory_space<vmem>>, vector<16xf32>,
      %jit3A_248 = arith.constant 0.000000e+00 : f32
      %broadcast_in_dim3A_249 = vector.broadcast %jit3A_248 : f32 to vector<16xf32>
      %select_n3A_250 = arith.select %eq3A_243, %get3A_247, %broadcast_in_dim3A_249 : vector<16xi1>, vector<16xf32>
      %add3A_251 = arith.addf %add3A_233, %select_n3A_250 : vector<16xf32>
      %add3A_252 = arith.constant 96 : i32
      %add3A_253 = arith.addi %mul3A_38, %add3A_252 : i32
      %get3A_254 = arith.index_cast %add3A_253 : i32 to index
      %get3A_255 = tpu.vector_load %arg7[%get3A_254] {strides = array<i32>} : memref<6656xi32, #tpu.memory_space<vmem>>, vector<16xi32>,
      %gather3A_256 = tpu.vector_load_idx %arg6[%get3A_255] : memref<100000xf32, #tpu.memory_space<vmem>>[vector<16xi32>], vector<16xf32>,
      %add3A_257 = arith.constant 96 : i32
      %add3A_258 = vector.broadcast %add3A_257 : i32 to vector<16xi32>
      %add3A_259 = arith.addi %add3A_258, %iota3A : vector<16xi32>
      %convert_element_type3A_260 = arith.sitofp %add3A_259 : vector<16xi32> to vector<16xf32>
      %eq3A_261 = arith.cmpf oeq, %gather3A_256, %convert_element_type3A_260 : vector<16xf32>
      %add3A_262 = arith.constant 96 : i32
      %add3A_263 = arith.addi %mul3A_38, %add3A_262 : i32
      %get3A_264 = arith.index_cast %add3A_263 : i32 to index
      %get3A_265 = tpu.vector_load %arg8[%get3A_264] {strides = array<i32>} : memref<6656xf32, #tpu.memory_space<vmem>>, vector<16xf32>,
      %jit3A_266 = arith.constant 0.000000e+00 : f32
      %broadcast_in_dim3A_267 = vector.broadcast %jit3A_266 : f32 to vector<16xf32>
      %select_n3A_268 = arith.select %eq3A_261, %get3A_265, %broadcast_in_dim3A_267 : vector<16xi1>, vector<16xf32>
      %add3A_269 = arith.addf %add3A_251, %select_n3A_268 : vector<16xf32>
      %add3A_270 = arith.constant 112 : i32
      %add3A_271 = arith.addi %mul3A_38, %add3A_270 : i32
      %get3A_272 = arith.index_cast %add3A_271 : i32 to index
      %get3A_273 = tpu.vector_load %arg7[%get3A_272] {strides = array<i32>} : memref<6656xi32, #tpu.memory_space<vmem>>, vector<16xi32>,
      %gather3A_274 = tpu.vector_load_idx %arg6[%get3A_273] : memref<100000xf32, #tpu.memory_space<vmem>>[vector<16xi32>], vector<16xf32>,
      %add3A_275 = arith.constant 112 : i32
      %add3A_276 = vector.broadcast %add3A_275 : i32 to vector<16xi32>
      %add3A_277 = arith.addi %add3A_276, %iota3A : vector<16xi32>
      %convert_element_type3A_278 = arith.sitofp %add3A_277 : vector<16xi32> to vector<16xf32>
      %eq3A_279 = arith.cmpf oeq, %gather3A_274, %convert_element_type3A_278 : vector<16xf32>
      %add3A_280 = arith.constant 112 : i32
      %add3A_281 = arith.addi %mul3A_38, %add3A_280 : i32
      %get3A_282 = arith.index_cast %add3A_281 : i32 to index
      %get3A_283 = tpu.vector_load %arg8[%get3A_282] {strides = array<i32>} : memref<6656xf32, #tpu.memory_space<vmem>>, vector<16xf32>,
      %jit3A_284 = arith.constant 0.000000e+00 : f32
      %broadcast_in_dim3A_285 = vector.broadcast %jit3A_284 : f32 to vector<16xf32>
      %select_n3A_286 = arith.select %eq3A_279, %get3A_283, %broadcast_in_dim3A_285 : vector<16xi1>, vector<16xf32>
      %add3A_287 = arith.addf %add3A_269, %select_n3A_286 : vector<16xf32>
      %add3A_288 = arith.constant 128 : i32
      %add3A_289 = arith.addi %mul3A_38, %add3A_288 : i32
      %get3A_290 = arith.index_cast %add3A_289 : i32 to index
      %get3A_291 = tpu.vector_load %arg7[%get3A_290] {strides = array<i32>} : memref<6656xi32, #tpu.memory_space<vmem>>, vector<16xi32>,
      %gather3A_292 = tpu.vector_load_idx %arg6[%get3A_291] : memref<100000xf32, #tpu.memory_space<vmem>>[vector<16xi32>], vector<16xf32>,
      %add3A_293 = arith.constant 128 : i32
      %add3A_294 = vector.broadcast %add3A_293 : i32 to vector<16xi32>
      %add3A_295 = arith.addi %add3A_294, %iota3A : vector<16xi32>
      %convert_element_type3A_296 = arith.sitofp %add3A_295 : vector<16xi32> to vector<16xf32>
      %eq3A_297 = arith.cmpf oeq, %gather3A_292, %convert_element_type3A_296 : vector<16xf32>
      %add3A_298 = arith.constant 128 : i32
      %add3A_299 = arith.addi %mul3A_38, %add3A_298 : i32
      %get3A_300 = arith.index_cast %add3A_299 : i32 to index
      %get3A_301 = tpu.vector_load %arg8[%get3A_300] {strides = array<i32>} : memref<6656xf32, #tpu.memory_space<vmem>>, vector<16xf32>,
      %jit3A_302 = arith.constant 0.000000e+00 : f32
      %broadcast_in_dim3A_303 = vector.broadcast %jit3A_302 : f32 to vector<16xf32>
      %select_n3A_304 = arith.select %eq3A_297, %get3A_301, %broadcast_in_dim3A_303 : vector<16xi1>, vector<16xf32>
      %add3A_305 = arith.addf %add3A_287, %select_n3A_304 : vector<16xf32>
      %add3A_306 = arith.constant 144 : i32
      %add3A_307 = arith.addi %mul3A_38, %add3A_306 : i32
      %get3A_308 = arith.index_cast %add3A_307 : i32 to index
      %get3A_309 = tpu.vector_load %arg7[%get3A_308] {strides = array<i32>} : memref<6656xi32, #tpu.memory_space<vmem>>, vector<16xi32>,
      %gather3A_310 = tpu.vector_load_idx %arg6[%get3A_309] : memref<100000xf32, #tpu.memory_space<vmem>>[vector<16xi32>], vector<16xf32>,
      %add3A_311 = arith.constant 144 : i32
      %add3A_312 = vector.broadcast %add3A_311 : i32 to vector<16xi32>
      %add3A_313 = arith.addi %add3A_312, %iota3A : vector<16xi32>
      %convert_element_type3A_314 = arith.sitofp %add3A_313 : vector<16xi32> to vector<16xf32>
      %eq3A_315 = arith.cmpf oeq, %gather3A_310, %convert_element_type3A_314 : vector<16xf32>
      %add3A_316 = arith.constant 144 : i32
      %add3A_317 = arith.addi %mul3A_38, %add3A_316 : i32
      %get3A_318 = arith.index_cast %add3A_317 : i32 to index
      %get3A_319 = tpu.vector_load %arg8[%get3A_318] {strides = array<i32>} : memref<6656xf32, #tpu.memory_space<vmem>>, vector<16xf32>,
      %jit3A_320 = arith.constant 0.000000e+00 : f32
      %broadcast_in_dim3A_321 = vector.broadcast %jit3A_320 : f32 to vector<16xf32>
      %select_n3A_322 = arith.select %eq3A_315, %get3A_319, %broadcast_in_dim3A_321 : vector<16xi1>, vector<16xf32>
      %add3A_323 = arith.addf %add3A_305, %select_n3A_322 : vector<16xf32>
      %add3A_324 = arith.constant 160 : i32
      %add3A_325 = arith.addi %mul3A_38, %add3A_324 : i32
      %get3A_326 = arith.index_cast %add3A_325 : i32 to index
      %get3A_327 = tpu.vector_load %arg7[%get3A_326] {strides = array<i32>} : memref<6656xi32, #tpu.memory_space<vmem>>, vector<16xi32>,
      %gather3A_328 = tpu.vector_load_idx %arg6[%get3A_327] : memref<100000xf32, #tpu.memory_space<vmem>>[vector<16xi32>], vector<16xf32>,
      %add3A_329 = arith.constant 160 : i32
      %add3A_330 = vector.broadcast %add3A_329 : i32 to vector<16xi32>
      %add3A_331 = arith.addi %add3A_330, %iota3A : vector<16xi32>
      %convert_element_type3A_332 = arith.sitofp %add3A_331 : vector<16xi32> to vector<16xf32>
      %eq3A_333 = arith.cmpf oeq, %gather3A_328, %convert_element_type3A_332 : vector<16xf32>
      %add3A_334 = arith.constant 160 : i32
      %add3A_335 = arith.addi %mul3A_38, %add3A_334 : i32
      %get3A_336 = arith.index_cast %add3A_335 : i32 to index
      %get3A_337 = tpu.vector_load %arg8[%get3A_336] {strides = array<i32>} : memref<6656xf32, #tpu.memory_space<vmem>>, vector<16xf32>,
      %jit3A_338 = arith.constant 0.000000e+00 : f32
      %broadcast_in_dim3A_339 = vector.broadcast %jit3A_338 : f32 to vector<16xf32>
      %select_n3A_340 = arith.select %eq3A_333, %get3A_337, %broadcast_in_dim3A_339 : vector<16xi1>, vector<16xf32>
      %add3A_341 = arith.addf %add3A_323, %select_n3A_340 : vector<16xf32>
      %add3A_342 = arith.constant 176 : i32
      %add3A_343 = arith.addi %mul3A_38, %add3A_342 : i32
      %get3A_344 = arith.index_cast %add3A_343 : i32 to index
      %get3A_345 = tpu.vector_load %arg7[%get3A_344] {strides = array<i32>} : memref<6656xi32, #tpu.memory_space<vmem>>, vector<16xi32>,
      %gather3A_346 = tpu.vector_load_idx %arg6[%get3A_345] : memref<100000xf32, #tpu.memory_space<vmem>>[vector<16xi32>], vector<16xf32>,
      %add3A_347 = arith.constant 176 : i32
      %add3A_348 = vector.broadcast %add3A_347 : i32 to vector<16xi32>
      %add3A_349 = arith.addi %add3A_348, %iota3A : vector<16xi32>
      %convert_element_type3A_350 = arith.sitofp %add3A_349 : vector<16xi32> to vector<16xf32>
      %eq3A_351 = arith.cmpf oeq, %gather3A_346, %convert_element_type3A_350 : vector<16xf32>
      %add3A_352 = arith.constant 176 : i32
      %add3A_353 = arith.addi %mul3A_38, %add3A_352 : i32
      %get3A_354 = arith.index_cast %add3A_353 : i32 to index
      %get3A_355 = tpu.vector_load %arg8[%get3A_354] {strides = array<i32>} : memref<6656xf32, #tpu.memory_space<vmem>>, vector<16xf32>,
      %jit3A_356 = arith.constant 0.000000e+00 : f32
      %broadcast_in_dim3A_357 = vector.broadcast %jit3A_356 : f32 to vector<16xf32>
      %select_n3A_358 = arith.select %eq3A_351, %get3A_355, %broadcast_in_dim3A_357 : vector<16xi1>, vector<16xf32>
      %add3A_359 = arith.addf %add3A_341, %select_n3A_358 : vector<16xf32>
      %add3A_360 = arith.constant 192 : i32
      %add3A_361 = arith.addi %mul3A_38, %add3A_360 : i32
      %get3A_362 = arith.index_cast %add3A_361 : i32 to index
      %get3A_363 = tpu.vector_load %arg7[%get3A_362] {strides = array<i32>} : memref<6656xi32, #tpu.memory_space<vmem>>, vector<16xi32>,
      %gather3A_364 = tpu.vector_load_idx %arg6[%get3A_363] : memref<100000xf32, #tpu.memory_space<vmem>>[vector<16xi32>], vector<16xf32>,
      %add3A_365 = arith.constant 192 : i32
      %add3A_366 = vector.broadcast %add3A_365 : i32 to vector<16xi32>
      %add3A_367 = arith.addi %add3A_366, %iota3A : vector<16xi32>
      %convert_element_type3A_368 = arith.sitofp %add3A_367 : vector<16xi32> to vector<16xf32>
      %eq3A_369 = arith.cmpf oeq, %gather3A_364, %convert_element_type3A_368 : vector<16xf32>
      %lt3A_370 = arith.constant 8 : i32
      %lt3A_371 = vector.broadcast %lt3A_370 : i32 to vector<16xi32>
      %lt3A_372 = arith.cmpi slt, %iota3A, %lt3A_371 : vector<16xi32>
      %and3A = arith.andi %eq3A_369, %lt3A_372 : vector<16xi1>
      %add3A_373 = arith.constant 192 : i32
      %add3A_374 = arith.addi %mul3A_38, %add3A_373 : i32
      %get3A_375 = arith.index_cast %add3A_374 : i32 to index
      %get3A_376 = tpu.vector_load %arg8[%get3A_375] {strides = array<i32>} : memref<6656xf32, #tpu.memory_space<vmem>>, vector<16xf32>,
      %jit3A_377 = arith.constant 0.000000e+00 : f32
      %broadcast_in_dim3A_378 = vector.broadcast %jit3A_377 : f32 to vector<16xf32>
      %select_n3A_379 = arith.select %and3A, %get3A_376, %broadcast_in_dim3A_378 : vector<16xi1>, vector<16xf32>
      %add3A_380 = arith.addf %add3A_359, %select_n3A_379 : vector<16xf32>
      %reduce_sum3A = arith.constant true
      %reduce_sum3A_381 = vector.broadcast %reduce_sum3A : i1 to vector<16xi1>
      %reduce_sum3A_382 = tpu.scan <sum>, %add3A_380 masked %reduce_sum3A_381 : vector<16xf32>, vector<16xi1> -> vector<16xf32>
      %reduce_sum3A_383 = vector.extract %reduce_sum3A_382[15] : f32 from vector<16xf32>
      %broadcast_in_dim3A_384 = vector.broadcast %reduce_sum3A_383 : f32 to vector<16xf32>
      %eq3A_385 = vector.broadcast %scan3A_34 : i32 to vector<16xi32>
      %eq3A_386 = arith.cmpi eq, %iota3A, %eq3A_385 : vector<16xi32>
      %select_n3A_387 = arith.select %eq3A_386, %broadcast_in_dim3A_384, %scan3A_35 : vector<16xi1>, vector<16xf32>
      %sub3A = arith.constant 16 : i32
      %sub3A_388 = arith.subi %scan3A_34, %sub3A : i32
      %eq3A_389 = vector.broadcast %sub3A_388 : i32 to vector<16xi32>
      %eq3A_390 = arith.cmpi eq, %iota3A, %eq3A_389 : vector<16xi32>
      %select_n3A_391 = arith.select %eq3A_390, %broadcast_in_dim3A_384, %scan3A_36 : vector<16xi1>, vector<16xf32>
      scf.yield %select_n3A_387, %select_n3A_391 : vector<16xf32>, vector<16xf32>
    }
    %scan3A_12 = arith.constant 32 : i32
    %get3A = arith.constant 0 : index
    %get3A_13 = tpu.vector_load %arg9[%get3A] {strides = array<i32>} : memref<16xf32, #tpu.memory_space<vmem>>, vector<16xf32>,
    %add3A_14 = arith.addf %scan3A_11#0, %get3A_13 : vector<16xf32>
    %gt3A = arith.constant 0.000000e+00 : f32
    %gt3A_15 = vector.broadcast %gt3A : f32 to vector<16xf32>
    %gt3A_16 = arith.cmpf ogt, %add3A_14, %gt3A_15 : vector<16xf32>
    %jit3A = arith.constant 1 : i32
    %jit3A_17 = arith.constant 0 : i32
    %broadcast_in_dim3A_18 = vector.broadcast %jit3A : i32 to vector<16xi32>
    %broadcast_in_dim3A_19 = vector.broadcast %jit3A_17 : i32 to vector<16xi32>
    %select_n3A = arith.select %gt3A_16, %broadcast_in_dim3A_18, %broadcast_in_dim3A_19 : vector<16xi1>, vector<16xi32>
    %swap3A = arith.constant 0 : index
    %swap3A_20 = tpu.vector_load %arg10[%swap3A] {strides = array<i32>} : memref<32xi32, #tpu.memory_space<vmem>>, vector<16xi32>,
    tpu.vector_store %arg10[%swap3A], %select_n3A {strides = array<i32>} : memref<32xi32, #tpu.memory_space<vmem>>, vector<16xi32>,
    %add3A_21 = arith.addf %scan3A_11#1, %get3A_13 : vector<16xf32>
    %gt3A_22 = arith.constant 0.000000e+00 : f32
    %gt3A_23 = vector.broadcast %gt3A_22 : f32 to vector<16xf32>
    %gt3A_24 = arith.cmpf ogt, %add3A_21, %gt3A_23 : vector<16xf32>
    %jit3A_25 = arith.constant 1 : i32
    %jit3A_26 = arith.constant 0 : i32
    %broadcast_in_dim3A_27 = vector.broadcast %jit3A_25 : i32 to vector<16xi32>
    %broadcast_in_dim3A_28 = vector.broadcast %jit3A_26 : i32 to vector<16xi32>
    %select_n3A_29 = arith.select %gt3A_24, %broadcast_in_dim3A_27, %broadcast_in_dim3A_28 : vector<16xi1>, vector<16xi32>
    %swap3A_30 = arith.constant 16 : index
    %swap3A_31 = tpu.vector_load %arg10[%swap3A_30] {strides = array<i32>} : memref<32xi32, #tpu.memory_space<vmem>>, vector<16xi32>,
    tpu.vector_store %arg10[%swap3A_30], %select_n3A_29 {strides = array<i32>} : memref<32xi32, #tpu.memory_space<vmem>>, vector<16xi32>,
    %mul3A_32 = arith.constant 32 : i32
    %mul3A_33 = arith.muli %add3A, %mul3A_32 : i32
    "tpu.region"() ({
      %run_scoped3A = tpu.sem_alloc : memref<!tpu.dma_semaphore, #tpu.memory_space<semaphore_mem>>
      %dma_start3A = tpu.memref_slice %arg5[%mul3A_33] : memref<1024xi32, #tpu.memory_space<hbm>> -> memref<32xi32, #tpu.memory_space<hbm>>
      %dma_start3A_34 = tpu.memref_slice %arg5[%mul3A_33] : memref<1024xi32, #tpu.memory_space<hbm>> -> memref<32xi32, #tpu.memory_space<hbm>>
      tpu.enqueue_dma source(%arg10 : memref<32xi32, #tpu.memory_space<vmem>>) target(%dma_start3A_34 : memref<32xi32, #tpu.memory_space<hbm>>) target_semaphore(%run_scoped3A : memref<!tpu.dma_semaphore, #tpu.memory_space<semaphore_mem>>)
      %dma_wait3A = tpu.memref_slice %arg5[%mul3A_33] : memref<1024xi32, #tpu.memory_space<hbm>> -> memref<32xi32, #tpu.memory_space<hbm>>
      %dma_wait3A_35 = tpu.memref_slice %arg5[%mul3A_33] : memref<1024xi32, #tpu.memory_space<hbm>> -> memref<32xi32, #tpu.memory_space<hbm>>
      tpu.wait_dma2 semaphore(%run_scoped3A : memref<!tpu.dma_semaphore, #tpu.memory_space<semaphore_mem>>) src(%arg10 : memref<32xi32, #tpu.memory_space<vmem>>) dst(%dma_wait3A_35 : memref<32xi32, #tpu.memory_space<hbm>>)
      tpu.yield
    }) : () -> ()
    return
  }
}

</mosaic_0001>

<sc_bundles>
// kernel: kernel.3.cloned.1.call-start
scs
__scs_entry_jumppad:
0x0: {  	(pc) =	sbr.rel $0x88, $3  }
0x1: {  	(tag) =	ssettag $0x0;
	lr =	simm.s32 $0x1  }
0x2: {  	[smem:$0x3F9E] =	sst lr;
	_ =	strace $0xD0000000  }
0x3: {  	_ = 	snop  }
0x4: {  	_ = 	snop  }
0x5: {  	_ = 	snop  }
0x6: {  	_ = 	snop  }
0x7: {  	_ = 	snop  }
__scs_overlays_trampoline_lowered:
0x8: {  	[smem:$0x3FAD] =	sst s0  }
0x9: {  	[smem:$0x3FAE] =	sst s1  }
0xa: {  	[smem:$0x3FAF] =	sst s2  }
0xb: {  	[smem:$0x3FB0] =	sst s3  }
0xc: {  	[smem:$0x3FB1] =	sst s4  }
0xd: {  	[smem:$0x3FB2] =	sst s5  }
0xe: {  	[smem:$0x3FB3] =	sst s6  }
0xf: {  	[smem:$0x3FB4] =	sst s7  }
0x10: {  	[smem:$0x3FB5] =	sst s8  }
0x11: {  	[smem:$0x3FB6] =	sst s9;
	s0 =	simm.s32 @!p0 $0x0  }
0x12: {  	s1 =	sld [smem:$0x3F9C];
	s0 =	simm.s32 @p0 $0x1  }
0x13: {  	[smem:$0x3FB7] =	sst s0;
	s0 =	simm.s32 @!p1 $0x0  }
0x14: {  	s2 =	sld [smem:$0x3F9B];
	s0 =	simm.s32 @p1 $0x1  }
0x15: {  	[smem:$0x3FB8] =	sst s0;
	s0 =	simm.s32 @!p2 $0x0  }
0x16: {  	s3 =	sld [smem:$0x3FDB];
	s0 =	simm.s32 @p2 $0x1  }
0x17: {  	s4 =	simm.s32 $0x1BF5;
	[smem:$0x3FBA] =	sst s0  }
0x18: {  	s0 =	sld [smem:$0x3F9D];
	_ =	swait.ge [sflag:s4], $0x0  }
0x19: {  	s7 =	sld [smem:$0x3F9E]  }
0x1a: {  	s8 =	sadd.s32 $0xFFFFE003, lr  }
0x1b: {  	s9 =	sadd.s32 $0xFFFFFEF7, lr;
	s5 =	simm.s32 $0xFFFFFFFF;
	p2 =	slt.u32 s8, $0xFFFFF086  }
0x1c: {  	p1 =	slt.u32 s9, $0xF7A;
	s5 =	simm.s32 @!p2 $0x0  }
0x1d: {  	s5 =	simm.s32 @p1 $0x1;
	p0 =	seq.s32 s7, s2  }
0x1e: {  	s7 =	smul.u32 @!p0 $0xF7A, s2;
	p2 =	seq.s32 @!p0 s5, $0x0  }
0x1f: {  	s9 =	smul.u32 $0xF7A, s1;
	s8 =	simm.s32 @!p0 $0x1BF5;
	p2 =	por !p2, p0  }
0x20: {  	[sflag:s8] =	ssyncset.s32 @!p0 $0xFFFFF086;
	s6 =	sadd.s32 @!p0 s3, s7;
	s7 =	simm.s32 @!p0 $0x108  }
0x21: {  	s3 =	sadd.s32 s3, s9;
	s6 =	sadd.s32 @!p0 $0x88, s6;
	s7 =	simm.s32 @p2 $0x1082  }
0x22: {  	[simem:s7], [sflag:s8] =	dma.local @!p0 [hbm:s6], $0xF7A  }
0x23: {  	s9 =	sor.u32 $0xD0000000, s2;
	s6 =	simm.s32 $0x108;
	_ =	swait.ge @!p0 [sflag:s8], $0x0  }
0x24: {  	s3 =	sadd.s32 $0x88, s3;
	s6 =	simm.s32 @!p1 $0x1082;
	[sflag:s4] =	ssyncset.s32 $0xFFFFF086  }
0x25: {  	[simem:s6], [sflag:s4] =	dma.local [hbm:s3], $0xF7A  }
0x26: {  	[smem:$0x3F9E] =	sst s1;
	(tag) =	ssettag s2;
	_ =	strace s9  }
0x27: {  	s1 =	sld [smem:$0x3FAE]  }
0x28: {  	s2 =	sld [smem:$0x3FAF]  }
0x29: {  	s4 =	sld [smem:$0x3FB1]  }
0x2a: {  	p0 =	seq.s32 s5, $0x0;
	s5 =	sld [smem:$0x3FB2]  }
0x2b: {  	s6 =	sld [smem:$0x3FB3]  }
0x2c: {  	s7 =	sld [smem:$0x3FB4]  }
0x2d: {  	s3 =	simm.s32 $0x108;
	s8 =	sld [smem:$0x3FB5]  }
0x2e: {  	s3 =	simm.s32 @!p0 $0x1082;
	s9 =	sld [smem:$0x3FB6]  }
0x2f: {  	lr =	sadd.s32 s0, s3;
	s0 =	sld [smem:$0x3FAD]  }
0x30: {  	s3 =	sld [smem:$0x3FB0]  }
0x31: {  	[smem:$0x3FB9] =	sst s10  }
0x32: {  	s10 =	sld [smem:$0x3FB7];
	_ =	sdelay $0x3  }
0x33: {  	p0 =	seq.s32 s10, $0x1;
	s10 =	sld [smem:$0x3FB9];
	_ =	sdelay $0x3  }
0x34: {  	[smem:$0x3FB9] =	sst s10  }
0x35: {  	s10 =	sld [smem:$0x3FB8];
	_ =	sdelay $0x3  }
0x36: {  	p1 =	seq.s32 s10, $0x1;
	s10 =	sld [smem:$0x3FB9];
	_ =	sdelay $0x3  }
0x37: {  	[smem:$0x3FB9] =	sst s10  }
0x38: {  	s10 =	sld [smem:$0x3FBA]  }
0x39: {  	_ = 	snop;
	(pc) =	sbr.ind lr, $3  }
0x3a: {  	_ = 	snop  }
0x3b: {  	_ = 	snop  }
0x3c: {  	p2 =	seq.s32 s10, $0x1;
	s10 =	sld [smem:$0x3FB9]  }
0x3d: {  	_ =	shalt  }
0x3e: {  	_ =	shalt  }
0x3f: {  	_ =	shalt  }
0x40: {  	_ =	shalt  }
0x41: {  	_ =	shalt  }
0x42: {  	_ =	shalt  }
0x43: {  	_ =	shalt  }
0x44: {  	_ =	shalt  }
0x45: {  	_ =	shalt  }
0x46: {  	_ =	shalt  }
0x47: {  	_ =	shalt  }
0x48: {  	_ =	shalt  }
0x49: {  	_ =	shalt  }
0x4a: {  	_ =	shalt  }
0x4b: {  	_ =	shalt  }
0x4c: {  	_ =	shalt  }
0x4d: {  	_ =	shalt  }
0x4e: {  	_ =	shalt  }
0x4f: {  	_ =	shalt  }
0x50: {  	_ =	shalt  }
0x51: {  	_ =	shalt  }
0x52: {  	_ =	shalt  }
0x53: {  	_ =	shalt  }
0x54: {  	_ =	shalt  }
0x55: {  	_ =	shalt  }
0x56: {  	_ =	shalt  }
0x57: {  	_ =	shalt  }
0x58: {  	_ =	shalt  }
0x59: {  	_ =	shalt  }
0x5a: {  	_ =	shalt  }
0x5b: {  	_ =	shalt  }
0x5c: {  	_ =	shalt  }
0x5d: {  	_ =	shalt  }
0x5e: {  	_ =	shalt  }
0x5f: {  	_ =	shalt  }
0x60: {  	_ =	shalt  }
0x61: {  	_ =	shalt  }
0x62: {  	_ =	shalt  }
0x63: {  	_ =	shalt  }
0x64: {  	_ =	shalt  }
0x65: {  	_ =	shalt  }
0x66: {  	_ =	shalt  }
0x67: {  	_ =	shalt  }
0x68: {  	_ =	shalt  }
0x69: {  	_ =	shalt  }
0x6a: {  	_ =	shalt  }
0x6b: {  	_ =	shalt  }
0x6c: {  	_ =	shalt  }
0x6d: {  	_ =	shalt  }
0x6e: {  	_ =	shalt  }
0x6f: {  	_ =	shalt  }
0x70: {  	_ =	shalt  }
0x71: {  	_ =	shalt  }
0x72: {  	_ =	shalt  }
0x73: {  	_ =	shalt  }
0x74: {  	_ =	shalt  }
0x75: {  	_ =	shalt  }
0x76: {  	_ =	shalt  }
0x77: {  	_ =	shalt  }
0x78: {  	_ =	shalt  }
0x79: {  	_ =	shalt  }
0x7a: {  	_ =	shalt  }
0x7b: {  	_ =	shalt  }
0x7c: {  	_ =	shalt  }
0x7d: {  	_ =	shalt  }
0x7e: {  	_ =	shalt  }
0x7f: {  	_ =	shalt  }
0x80: {  	_ =	shalt  }
0x81: {  	_ =	shalt  }
0x82: {  	_ =	shalt  }
0x83: {  	_ =	shalt  }
0x84: {  	_ =	shalt  }
0x85: {  	_ =	shalt  }
0x86: {  	_ =	shalt  }
0x87: {  	_ =	shalt  }
.Lfunc_end0:
.L_simem_size_0:
called_computation_lowered:
.L_overlay_start_0:
0x88: {  	s2 =	sld [smem:$0x3FD9]  }
0x89: {  	s3 =	sld [smem:$0x3FFE];
	_ =	sdelay $0x1  }
0x8a: {  	s1 =	srdreg.scid  }
0x8b: {  	s0 =	sand.u32 $0x1, s1  }
0x8c: {  	s17 =	sshll.u32 s0, $0xA;
	s2 =	sadd.s32 s3, s2  }
0x8d: {  	s2 =	sadd.s32 s2, s17  }
0x8e: {  	[smem:$0x3FC5] =	sst s2  }
0x8f: {  	_ = 	snop  }
0x90: {  	s2 =	sld [smem:$0x3FD0];
	(tm) =	ssettm $0x1  }
0x91: {  	s18 =	sld [smem:$0x3FFB];
	_ =	sdelay $0x3  }
0x92: {  	_ =	strace s18  }
0x93: {  	s3 =	sld [smem:$0x3FFC];
	_ =	sdelay $0x3  }
0x94: {  	_ =	strace s3  }
0x95: {  	s3 =	sld [smem:$0x3FFD];
	_ =	sdelay $0x3  }
0x96: {  	_ =	strace s3  }
0x97: {  	_ =	strace $0x8FFFFFFF  }
0x98: {  	s19 =	sld [smem:$0x3FDB];
	_ =	sdelay $0x1  }
0x99: {  	s4 =	simm.s32 $_scs_section_size  }
0x9a: {  	s5 =	simm.s32 $_size__tile_overlayer_lowered;
	s6 =	simm.s32 $_tile_overlayer_lowered  }
0x9b: {  	s22 =	simm.s32 $0x1BFF;
	s21 =	sshll.u32 s6, $0x1;
	s3 =	sadd.s32 s4, s19  }
0x9c: {  	s7 =	simm.s32 $0x0;
	s20 =	sshll.u32 s5, $0x1;
	s5 =	sadd.s32 s21, s3  }
0x9d: {  	[timem:s7], [sflag:s22] =	dma.local [hbm:s5], s20  }
0x9e: {  	_ =	swait.ge [sflag:s22], s20  }
0x9f: {  	s4 =	ssub.s32 $0x0, s20;
	[sflag:s22] =	ssyncset.done $0x0  }
0xa0: {  	[sflag:s22] =	ssyncadd.s32 s4;
	_ =	sdelay $0x1  }
0xa1: {  	s23 =	simm.s32 $0x1B8B  }
0xa2: {  	_ =	swait.ge [sflag:s23], $0x1  }
0xa3: {  	[sflag:s23] =	ssyncset.done $0x0  }
0xa4: {  	s25 =	simm.s32 $0x1B8E;
	s24 =	sld [smem:$0x3FFE];
	[sflag:s23] =	ssyncadd.s32 $0xFFFFFFFF  }
0xa5: {  	s26 =	simm.s32 $execute0_lowered;
	[smem:$0x3FD2] =	sst s25  }
0xa6: {  	s5 =	sshll.u32 s26, $0x1;
	_ =	strace $0x80000046;
	[dreg:$0x1] =	wrdreg $0xFFFFFFFF  }
0xa7: {  	s28 =	simm.s32 $_size_execute0_lowered;
	s3 =	sadd.s32 s3, s5;
	[dreg:$0x0] =	wrdreg $0x0  }
0xa8: {  	s5 =	sshll.u32 s28, $0x1;
	[dreg:$0x2] =	wrdreg s3  }
0xa9: {  	[dreg:$0x3] =	wrdreg s5  }
0xaa: {  	[dreg:$0x4] =	wrdreg $0xC0  }
0xab: {  	_ =	task [dreg:s7], $0x5FFFF  }
0xac: {  	[dreg:$0x1] =	wrdreg $0xFFFFFFFF  }
0xad: {  	[dreg:$0x0] =	wrdreg $0x60  }
0xae: {  	[dreg:$0x2] =	wrdreg s24  }
0xaf: {  	[dreg:$0x3] =	wrdreg s2  }
0xb0: {  	[dreg:$0x4] =	wrdreg $0x9  }
0xb1: {  	_ =	task.clear_ibuf [dreg:s7], $0x5FFFF;
	_ =	strace $0x90000046  }
0xb2: {  	s29 =	simm.s32 $0x9;
	_ =	strace $0x80000048  }
0xb3: {  	_ =	swait.ge [sflag:s29], $0x1  }
0xb4: {  	[sflag:s29] =	ssyncadd.s32 $0xFFFFFFFF  }
0xb5: {  	_ =	strace $0x90000048  }
0xb6: {  	_ =	sfence  }
0xb7: {  	s30 =	sld [smem:$0x0];
	_ =	sdelay $0x2  }
0xb8: {  	s31 =	sshll.u32 s1, $0xD;
	s1 =	sshrl.u32 s1, $0x2  }
0xb9: {  	s3 =	sand.u32 $0x4000, s31;
	s1 =	sadd.s32 s1, s30  }
0xba: {  	s0 =	sor.u32 s3, s0;
	s1 =	sshll.u32 s1, $0x11  }
0xbb: {  	s0 =	sor.u32 s1, s0  }
0xbc: {  	s0 =	sadd.s32 $0x8F2B, s0  }
0xbd: {  	[sflag:s0] =	ssyncadd.remote.s32 $0x1  }
0xbe: {  	_ =	sfence.sel $0xFFFF  }
0xbf: {  	[dreg:$0x0] =	wrdreg $0xFFFFFFFF;
	(pc) =	sbr.abs _section_cstart, $3  }
0xc0: {  	[dreg:$0x1] =	wrdreg $0xFFFFFFFF  }
0xc1: {  	_ =	task.clear_ibuf [dreg:s7], $0x2FFFF;
	_ =	strace $0x9FFFFFFF  }
0xc2: {  	(tm) =	ssettm $0x7FFFFFFF  }
0xc3: {  	_ =	shalt  }
tec
execute0_lowered:
.L_overlay_start_1:
0x0: {  	(tag) =	ssettag $0x1  }
0x1: {  	v0 =	vimm.f32 $1.500000000e+01  }
0x2: {  	vm14 =	vcmask $0x300;
	vm13 =	vcmask $0x704;
	vm12 =	vcmask $0xB08  }
0x3: {  	vm11 =	vcmask $0xF0C;
	vm10 =	vcmask $0x1310;
	vm9 =	vcmask $0x1714  }
0x4: {  	vm8 =	vcmask $0x1B18;
	vm7 =	vcmask $0x1F1C;
	vm6 =	vcmask $0x2320  }
0x5: {  	vm5 =	vcmask $0x2724;
	vm4 =	vcmask $0x2B28;
	vm3 =	vcmask $0x2F2C  }
0x6: {  	vm2 =	vcmask $0x3330;
	vm1 =	vcmask $0x3734;
	vm0 =	vcmask $0x3B38  }
0x7: {  	v1 =	vimm.f32 $3.100000000e+01;
	v2 =	vimm.f32 $4.700000000e+01;
	v3 =	vimm.f32 $6.300000000e+01  }
0x8: {  	v4 =	vimm.f32 $7.900000000e+01;
	v5 =	vimm.f32 $9.500000000e+01;
	v6 =	vimm.f32 $1.110000000e+02  }
0x9: {  	v7 =	vimm.f32 $1.270000000e+02;
	v8 =	vimm.f32 $1.430000000e+02;
	v9 =	vimm.f32 $1.590000000e+02  }
0xa: {  	v10 =	vimm.f32 $1.750000000e+02;
	v11 =	vimm.f32 $1.910000000e+02;
	v12 =	vimm.f32 $2.070000000e+02  }
0xb: {  	v13 =	vlaneseq.u32;
	v14 =	vimm.s32 $0x0;
	v0 =	vsel vm14, $0x0, v0  }
0xc: {  	v1 =	vsel vm14, $0x41800000, v1;
	v2 =	vsel vm14, $0x42000000, v2;
	v3 =	vsel vm14, $0x42400000, v3  }
0xd: {  	v4 =	vsel vm14, $0x42800000, v4;
	v5 =	vsel vm14, $0x42A00000, v5;
	v6 =	vsel vm14, $0x42C00000, v6  }
0xe: {  	v7 =	vsel vm14, $0x42E00000, v7;
	v8 =	vsel vm14, $0x43000000, v8;
	v9 =	vsel vm14, $0x43100000, v9  }
0xf: {  	v10 =	vsel vm14, $0x43200000, v10;
	v11 =	vsel vm14, $0x43300000, v11;
	v12 =	vsel vm14, $0x43400000, v12  }
0x10: {  	v0 =	vsel vm13, $0x3F800000, v0;
	v1 =	vsel vm13, $0x41880000, v1;
	v2 =	vsel vm13, $0x42040000, v2  }
0x11: {  	v3 =	vsel vm13, $0x42440000, v3;
	v4 =	vsel vm13, $0x42820000, v4;
	v5 =	vsel vm13, $0x42A20000, v5  }
0x12: {  	v6 =	vsel vm13, $0x42C20000, v6;
	v7 =	vsel vm13, $0x42E20000, v7;
	v8 =	vsel vm13, $0x43010000, v8  }
0x13: {  	v9 =	vsel vm13, $0x43110000, v9;
	v10 =	vsel vm13, $0x43210000, v10;
	v11 =	vsel vm13, $0x43310000, v11  }
0x14: {  	v12 =	vsel vm13, $0x43410000, v12;
	v0 =	vsel vm12, $0x40000000, v0;
	v1 =	vsel vm12, $0x41900000, v1  }
0x15: {  	v2 =	vsel vm12, $0x42080000, v2;
	v3 =	vsel vm12, $0x42480000, v3;
	v4 =	vsel vm12, $0x42840000, v4  }
0x16: {  	v5 =	vsel vm12, $0x42A40000, v5;
	v6 =	vsel vm12, $0x42C40000, v6;
	v7 =	vsel vm12, $0x42E40000, v7  }
0x17: {  	v8 =	vsel vm12, $0x43020000, v8;
	v9 =	vsel vm12, $0x43120000, v9;
	v10 =	vsel vm12, $0x43220000, v10  }
0x18: {  	v11 =	vsel vm12, $0x43320000, v11;
	v12 =	vsel vm12, $0x43420000, v12;
	v0 =	vsel vm11, $0x40400000, v0  }
0x19: {  	v1 =	vsel vm11, $0x41980000, v1;
	v2 =	vsel vm11, $0x420C0000, v2;
	v3 =	vsel vm11, $0x424C0000, v3  }
0x1a: {  	v4 =	vsel vm11, $0x42860000, v4;
	v5 =	vsel vm11, $0x42A60000, v5;
	v6 =	vsel vm11, $0x42C60000, v6  }
0x1b: {  	v7 =	vsel vm11, $0x42E60000, v7;
	v8 =	vsel vm11, $0x43030000, v8;
	v9 =	vsel vm11, $0x43130000, v9  }
0x1c: {  	v10 =	vsel vm11, $0x43230000, v10;
	v11 =	vsel vm11, $0x43330000, v11;
	v12 =	vsel vm11, $0x43430000, v12  }
0x1d: {  	v0 =	vsel vm10, $0x40800000, v0;
	v1 =	vsel vm10, $0x41A00000, v1;
	v2 =	vsel vm10, $0x42100000, v2  }
0x1e: {  	v3 =	vsel vm10, $0x42500000, v3;
	v4 =	vsel vm10, $0x42880000, v4;
	v5 =	vsel vm10, $0x42A80000, v5  }
0x1f: {  	v6 =	vsel vm10, $0x42C80000, v6;
	v7 =	vsel vm10, $0x42E80000, v7;
	v8 =	vsel vm10, $0x43040000, v8  }
0x20: {  	v9 =	vsel vm10, $0x43140000, v9;
	v10 =	vsel vm10, $0x43240000, v10;
	v11 =	vsel vm10, $0x43340000, v11  }
0x21: {  	v12 =	vsel vm10, $0x43440000, v12;
	v0 =	vsel vm9, $0x40A00000, v0;
	v1 =	vsel vm9, $0x41A80000, v1  }
0x22: {  	v2 =	vsel vm9, $0x42140000, v2;
	v3 =	vsel vm9, $0x42540000, v3;
	v4 =	vsel vm9, $0x428A0000, v4  }
0x23: {  	v5 =	vsel vm9, $0x42AA0000, v5;
	v6 =	vsel vm9, $0x42CA0000, v6;
	v7 =	vsel vm9, $0x42EA0000, v7  }
0x24: {  	v8 =	vsel vm9, $0x43050000, v8;
	v9 =	vsel vm9, $0x43150000, v9;
	v10 =	vsel vm9, $0x43250000, v10  }
0x25: {  	v11 =	vsel vm9, $0x43350000, v11;
	v12 =	vsel vm9, $0x43450000, v12;
	v0 =	vsel vm8, $0x40C00000, v0  }
0x26: {  	v1 =	vsel vm8, $0x41B00000, v1;
	v2 =	vsel vm8, $0x42180000, v2;
	v3 =	vsel vm8, $0x42580000, v3  }
0x27: {  	v4 =	vsel vm8, $0x428C0000, v4;
	v5 =	vsel vm8, $0x42AC0000, v5;
	v6 =	vsel vm8, $0x42CC0000, v6  }
0x28: {  	v7 =	vsel vm8, $0x42EC0000, v7;
	v8 =	vsel vm8, $0x43060000, v8;
	v9 =	vsel vm8, $0x43160000, v9  }
0x29: {  	v10 =	vsel vm8, $0x43260000, v10;
	v11 =	vsel vm8, $0x43360000, v11;
	v12 =	vsel vm8, $0x43460000, v12  }
0x2a: {  	v0 =	vsel vm7, $0x40E00000, v0;
	v1 =	vsel vm7, $0x41B80000, v1;
	v2 =	vsel vm7, $0x421C0000, v2  }
0x2b: {  	v3 =	vsel vm7, $0x425C0000, v3;
	v4 =	vsel vm7, $0x428E0000, v4;
	v5 =	vsel vm7, $0x42AE0000, v5  }
0x2c: {  	v6 =	vsel vm7, $0x42CE0000, v6;
	v7 =	vsel vm7, $0x42EE0000, v7;
	v8 =	vsel vm7, $0x43070000, v8  }
0x2d: {  	v9 =	vsel vm7, $0x43170000, v9;
	v10 =	vsel vm7, $0x43270000, v10;
	v11 =	vsel vm7, $0x43370000, v11  }
0x2e: {  	v12 =	vsel vm7, $0x43470000, v12;
	v0 =	vsel vm6, $0x41000000, v0;
	v1 =	vsel vm6, $0x41C00000, v1  }
0x2f: {  	v2 =	vsel vm6, $0x42200000, v2;
	v3 =	vsel vm6, $0x42600000, v3;
	v4 =	vsel vm6, $0x42900000, v4  }
0x30: {  	v5 =	vsel vm6, $0x42B00000, v5;
	v6 =	vsel vm6, $0x42D00000, v6;
	v7 =	vsel vm6, $0x42F00000, v7  }
0x31: {  	v8 =	vsel vm6, $0x43080000, v8;
	v9 =	vsel vm6, $0x43180000, v9;
	v10 =	vsel vm6, $0x43280000, v10  }
0x32: {  	v11 =	vsel vm6, $0x43380000, v11;
	v12 =	vsel vm6, $0x43480000, v12;
	v0 =	vsel vm5, $0x41100000, v0  }
0x33: {  	v1 =	vsel vm5, $0x41C80000, v1;
	v2 =	vsel vm5, $0x42240000, v2;
	v3 =	vsel vm5, $0x42640000, v3  }
0x34: {  	v4 =	vsel vm5, $0x42920000, v4;
	v5 =	vsel vm5, $0x42B20000, v5;
	v6 =	vsel vm5, $0x42D20000, v6  }
0x35: {  	v7 =	vsel vm5, $0x42F20000, v7;
	v8 =	vsel vm5, $0x43090000, v8;
	v9 =	vsel vm5, $0x43190000, v9  }
0x36: {  	v10 =	vsel vm5, $0x43290000, v10;
	v11 =	vsel vm5, $0x43390000, v11;
	v12 =	vsel vm5, $0x43490000, v12  }
0x37: {  	v0 =	vsel vm4, $0x41200000, v0;
	v1 =	vsel vm4, $0x41D00000, v1;
	v2 =	vsel vm4, $0x42280000, v2  }
0x38: {  	v3 =	vsel vm4, $0x42680000, v3;
	v4 =	vsel vm4, $0x42940000, v4;
	v5 =	vsel vm4, $0x42B40000, v5  }
0x39: {  	v6 =	vsel vm4, $0x42D40000, v6;
	v7 =	vsel vm4, $0x42F40000, v7;
	v8 =	vsel vm4, $0x430A0000, v8  }
0x3a: {  	v9 =	vsel vm4, $0x431A0000, v9;
	v10 =	vsel vm4, $0x432A0000, v10;
	v11 =	vsel vm4, $0x433A0000, v11  }
0x3b: {  	v12 =	vsel vm4, $0x434A0000, v12;
	v0 =	vsel vm3, $0x41300000, v0;
	v1 =	vsel vm3, $0x41D80000, v1  }
0x3c: {  	v2 =	vsel vm3, $0x422C0000, v2;
	v3 =	vsel vm3, $0x426C0000, v3;
	v4 =	vsel vm3, $0x42960000, v4  }
0x3d: {  	v5 =	vsel vm3, $0x42B60000, v5;
	v6 =	vsel vm3, $0x42D60000, v6;
	v7 =	vsel vm3, $0x42F60000, v7  }
0x3e: {  	v8 =	vsel vm3, $0x430B0000, v8;
	v9 =	vsel vm3, $0x431B0000, v9;
	v10 =	vsel vm3, $0x432B0000, v10  }
0x3f: {  	v11 =	vsel vm3, $0x433B0000, v11;
	v12 =	vsel vm3, $0x434B0000, v12;
	v0 =	vsel vm2, $0x41400000, v0  }
0x40: {  	v1 =	vsel vm2, $0x41E00000, v1;
	v2 =	vsel vm2, $0x42300000, v2;
	v3 =	vsel vm2, $0x42700000, v3  }
0x41: {  	s1 =	srdreg.scid;
	s4 =	rddreg [dreg:$0x0];
	v4 =	vsel vm2, $0x42980000, v4;
	v5 =	vsel vm2, $0x42B80000, v5;
	v6 =	vsel vm2, $0x42D80000, v6  }
0x42: {  	s0 =	stileid.u32;
	s7 =	rddreg [dreg:$0x1];
	v7 =	vsel vm2, $0x42F80000, v7;
	v8 =	vsel vm2, $0x430C0000, v8;
	v9 =	vsel vm2, $0x431C0000, v9  }
0x43: {  	s2 =	simm.s32 $0x0;
	s10 =	simm.s32 $0x18700;
	s11 =	simm.s32 $0x1;
	v10 =	vsel vm2, $0x432C0000, v10;
	v11 =	vsel vm2, $0x433C0000, v11;
	v12 =	vsel vm2, $0x434C0000, v12  }
0x44: {  	s12 =	simm.s32 $0x1BB00;
	s13 =	simm.s32 $0x1BB80;
	s14 =	simm.s32 $0x0;
	v0 =	vsel vm1, $0x41500000, v0;
	v1 =	vsel vm1, $0x41E80000, v1;
	v2 =	vsel vm1, $0x42340000, v2  }
0x45: {  	s3 =	sand.u32 $0x1, s1;
	s28 =	sshll.u32 s0, $0x1;
	s1 =	rddreg [dreg:$0x2];
	v3 =	vsel vm1, $0x42740000, v3;
	v4 =	vsel vm1, $0x429A0000, v4;
	v5 =	vsel vm1, $0x42BA0000, v5  }
0x46: {  	s29 =	sshrl.u32 s0, $0x2;
	[smem:$0x7FF] =	sst s2;
	s6 =	sor.u32 s3, s28;
	v6 =	vsel vm1, $0x42DA0000, v6;
	v7 =	vsel vm1, $0x42FA0000, v7;
	v8 =	vsel vm1, $0x430D0000, v8  }
0x47: {  	s5 =	smul.u32 $0xD000, s29;
	_ =	strace $0x80000047;
	s30 =	sshll.u32 s6, $0x7;
	v9 =	vsel vm1, $0x431D0000, v9;
	v10 =	vsel vm1, $0x432D0000, v10;
	v11 =	vsel vm1, $0x433D0000, v11  }
0x48: {  	s31 =	ssub.s32 $0x2, s3;
	s3 =	sadd.s32 $0x6E00, s4;
	s8 =	sand.u32 $0x380, s30;
	v12 =	vsel vm1, $0x434D0000, v12;
	v0 =	vsel vm0, $0x41600000, v0;
	v1 =	vsel vm0, $0x41F00000, v1  }
0x49: {  	s9 =	sshrl.u32 s31, $0x1;
	s6 =	sshll.u32 s6, $0x2;
	s5 =	sor.u32 s5, s8;
	v2 =	vsel vm0, $0x42380000, v2;
	v3 =	vsel vm0, $0x42780000, v3;
	v4 =	vsel vm0, $0x429C0000, v4  }
0x4a: {  	s6 =	sadd.s32 s7, s6;
	s8 =	ssub.s32 s31, s9;
	s5 =	sshrl.u32 s5, $0x3;
	v5 =	vsel vm0, $0x42BC0000, v5;
	v6 =	vsel vm0, $0x42DC0000, v6;
	v7 =	vsel vm0, $0x42FC0000, v7  }
0x4b: {  	s9 =	simm.s32 $0x400;
	s7 =	smax.u32 s8, $0x1;
	s5 =	sadd.s32 s5, s4;
	v8 =	vsel vm0, $0x430E0000, v8;
	v9 =	vsel vm0, $0x431E0000, v9;
	v10 =	vsel vm0, $0x432E0000, v10  }
0x4c: {  	s8 =	simm.s32 $0x80;
	s4 =	sadd.s32 $0xA000, s4;
	s5 =	sadd.s32 $0x600, s5;
	v11 =	vsel vm0, $0x433E0000, v11;
	v12 =	vsel vm0, $0x434E0000, v12;
	vm0 =	vmmov $0xff  }
.LBB2_1:
0x4d: {  	[tilespmem:s10], [sflag:$0x1] =	stream.strided.gather [hbm4b:s5+s8], $0x1A00, s9, s8, $0x38;
	[tilespmem:$0x1BC00] =	vst v63  }
0x4e: {  	_ =	swait.ge [sflag:s11], $0x1A00  }
0x4f: {  	[sflag:s11] =	ssyncset.done $0x0  }
0x50: {  	[sflag:s11] =	ssyncadd.s32 $0xFFFFE600  }
0x51: {  	[tilespmem:s2], [sflag:$0x1] =	stream.linear.gather [hbm4b:s3+s2], $0x18700, $0x38;
	[tilespmem:$0x1BC00] =	vst v63  }
0x52: {  	_ =	swait.ge [sflag:s11], $0x18700  }
0x53: {  	[sflag:s11] =	ssyncset.done $0x0  }
0x54: {  	[sflag:s11] =	ssyncadd.s32 $0xFFFE7900  }
0x55: {  	[tilespmem:s12], [sflag:$0x1] =	stream.linear.gather [hbm4b:s4+s2], $0x80, $0x38;
	[tilespmem:$0x1BC00] =	vst v63  }
0x56: {  	s15 =	simm.s32 $0x18760;
	_ =	swait.ge [sflag:s11], $0x80  }
0x57: {  	s16 =	simm.s32 $0x1A160;
	s18 =	simm.s32 $0x1A160;
	[sflag:s11] =	ssyncset.done $0x0  }
0x58: {  	s19 =	simm.s32 $0x18760;
	s20 =	simm.s32 $0x0;
	[sflag:s11] =	ssyncadd.s32 $0xFFFFFF80  }
.LBB2_2:
0x59: {  	v15 =	vld [tilespmem:s19+$0xFFFFFFA0];
	_ =	sdelay $0x6  }
0x5a: {  	s17 =	simm.s32 $0x0  }
0x5b: {  	v15 =	vld.idx.msk [tilespmem:v15+s17+$0x0], $0xffff;
	_ =	sdelay $0x4  }
0x5c: {  	[tilespmem:s18+$0xFFFFFFA0] =	vst v15  }
0x5d: {  	v15 =	vld [tilespmem:s19+$0xFFFFFFB0];
	_ =	sdelay $0x7  }
0x5e: {  	v15 =	vld.idx.msk [tilespmem:v15+s17+$0x0], $0xffff;
	_ =	sdelay $0x4  }
0x5f: {  	[tilespmem:s18+$0xFFFFFFB0] =	vst v15  }
0x60: {  	v15 =	vld [tilespmem:s19+$0xFFFFFFC0];
	_ =	sdelay $0x7  }
0x61: {  	v15 =	vld.idx.msk [tilespmem:v15+s17+$0x0], $0xffff;
	_ =	sdelay $0x4  }
0x62: {  	[tilespmem:s18+$0xFFFFFFC0] =	vst v15  }
0x63: {  	v15 =	vld [tilespmem:s19+$0xFFFFFFD0];
	_ =	sdelay $0x7  }
0x64: {  	v15 =	vld.idx.msk [tilespmem:v15+s17+$0x0], $0xffff;
	_ =	sdelay $0x4  }
0x65: {  	[tilespmem:s18+$0xFFFFFFD0] =	vst v15  }
0x66: {  	v15 =	vld [tilespmem:s19+$0xFFFFFFE0];
	_ =	sdelay $0x7  }
0x67: {  	v15 =	vld.idx.msk [tilespmem:v15+s17+$0x0], $0xffff;
	_ =	sdelay $0x4  }
0x68: {  	[tilespmem:s18+$0xFFFFFFE0] =	vst v15  }
0x69: {  	v15 =	vld [tilespmem:s19+$0xFFFFFFF0];
	_ =	sdelay $0x7  }
0x6a: {  	v15 =	vld.idx.msk [tilespmem:v15+s17+$0x0], $0xffff;
	_ =	sdelay $0x4  }
0x6b: {  	[tilespmem:s18+$0xFFFFFFF0] =	vst v15  }
0x6c: {  	v15 =	vld [tilespmem:s19+$0x0];
	_ =	sdelay $0x7  }
0x6d: {  	v15 =	vld.idx.msk [tilespmem:v15+s17+$0x0], $0xffff;
	_ =	sdelay $0x4  }
0x6e: {  	[tilespmem:s18+$0x0] =	vst v15  }
0x6f: {  	v15 =	vld [tilespmem:s19+$0x10];
	_ =	sdelay $0x7  }
0x70: {  	v15 =	vld.idx.msk [tilespmem:v15+s17+$0x0], $0xffff;
	_ =	sdelay $0x4  }
0x71: {  	s21 =	sand.u32 $0x1FF0, s20;
	[tilespmem:s18+$0x10] =	vst v15  }
0x72: {  	v15 =	vld [tilespmem:s21+$0x18780];
	_ =	sdelay $0x7  }
0x73: {  	v15 =	vld.idx.msk [tilespmem:v15+s17+$0x0], $0xffff;
	_ =	sdelay $0x4  }
0x74: {  	[tilespmem:s21+$0x1A180] =	vst v15  }
0x75: {  	v15 =	vld [tilespmem:s19+$0x30];
	_ =	sdelay $0x7  }
0x76: {  	v15 =	vld.idx.msk [tilespmem:v15+s17+$0x0], $0xffff;
	_ =	sdelay $0x4  }
0x77: {  	[tilespmem:s18+$0x30] =	vst v15  }
0x78: {  	v15 =	vld [tilespmem:s19+$0x40];
	_ =	sdelay $0x7  }
0x79: {  	v15 =	vld.idx.msk [tilespmem:v15+s17+$0x0], $0xffff;
	_ =	sdelay $0x4  }
0x7a: {  	[tilespmem:s18+$0x40] =	vst v15  }
0x7b: {  	v15 =	vld [tilespmem:s19+$0x50];
	_ =	sdelay $0x7  }
0x7c: {  	v15 =	vld.idx.msk [tilespmem:v15+s17+$0x0], $0xffff;
	_ =	sdelay $0x4  }
0x7d: {  	[tilespmem:s18+$0x50] =	vst v15  }
0x7e: {  	v15 =	vld [tilespmem:s19+$0x60];
	_ =	sdelay $0x7  }
0x7f: {  	p0 =	sne.s32 s20, $0x1930;
	v15 =	vld.idx.msk [tilespmem:v15+s17+$0x0], $0xffff  }
.Ltmp0:
0x80: {  	_ = 	snop;
	(pc) =	sbr.rel @p0 .LBB2_2-.Ltmp0, $2  }
0x81: {  	_ =	sdelay $0x2  }
0x82: {  	s20 =	sadd.s32 $0xD0, s20;
	s19 =	sadd.s32 $0xD0, s19;
	[tilespmem:s18+$0x60] =	vst v15;
	s18 =	sadd.s32 $0xD0, s18  }
0x83: {  	v15 =	vimm.f32 $0.0e+00;
	v16 =	vimm.f32 $0.0e+00;
	s18 =	simm.s32 $0x0  }
.LBB2_4:
0x84: {  	v17 =	vld [tilespmem:s15+$0xFFFFFFA0];
	_ =	sdelay $0x7  }
0x85: {  	[tilespmem:v17+s2+$0x0] =	vst.idx.msk $0xffff, v0  }
0x86: {  	v17 =	vld [tilespmem:s15+$0xFFFFFFB0];
	_ =	sdelay $0x7  }
0x87: {  	[tilespmem:v17+s2+$0x0] =	vst.idx.msk $0xffff, v1  }
0x88: {  	v17 =	vld [tilespmem:s15+$0xFFFFFFC0];
	_ =	sdelay $0x7  }
0x89: {  	[tilespmem:v17+s2+$0x0] =	vst.idx.msk $0xffff, v2  }
0x8a: {  	v17 =	vld [tilespmem:s15+$0xFFFFFFD0];
	_ =	sdelay $0x7  }
0x8b: {  	[tilespmem:v17+s2+$0x0] =	vst.idx.msk $0xffff, v3  }
0x8c: {  	v17 =	vld [tilespmem:s15+$0xFFFFFFE0];
	_ =	sdelay $0x7  }
0x8d: {  	[tilespmem:v17+s2+$0x0] =	vst.idx.msk $0xffff, v4  }
0x8e: {  	v17 =	vld [tilespmem:s15+$0xFFFFFFF0];
	_ =	sdelay $0x7  }
0x8f: {  	[tilespmem:v17+s2+$0x0] =	vst.idx.msk $0xffff, v5  }
0x90: {  	v17 =	vld [tilespmem:s15+$0x0];
	_ =	sdelay $0x7  }
0x91: {  	[tilespmem:v17+s2+$0x0] =	vst.idx.msk $0xffff, v6  }
0x92: {  	v17 =	vld [tilespmem:s15+$0x10];
	_ =	sdelay $0x7  }
0x93: {  	s19 =	sand.u32 $0x1FF0, s17;
	[tilespmem:v17+s2+$0x0] =	vst.idx.msk $0xffff, v7  }
0x94: {  	v17 =	vld [tilespmem:s19+$0x18780];
	_ =	sdelay $0x7  }
0x95: {  	[tilespmem:v17+s2+$0x0] =	vst.idx.msk $0xffff, v8  }
0x96: {  	v17 =	vld [tilespmem:s15+$0x30];
	_ =	sdelay $0x7  }
0x97: {  	[tilespmem:v17+s2+$0x0] =	vst.idx.msk $0xffff, v9  }
0x98: {  	v17 =	vld [tilespmem:s15+$0x40];
	_ =	sdelay $0x7  }
0x99: {  	[tilespmem:v17+s2+$0x0] =	vst.idx.msk $0xffff, v10  }
0x9a: {  	v17 =	vld [tilespmem:s15+$0x50];
	_ =	sdelay $0x7  }
0x9b: {  	[tilespmem:v17+s2+$0x0] =	vst.idx.msk $0xffff, v11  }
0x9c: {  	v17 =	vld [tilespmem:s15+$0x60];
	_ =	sdelay $0x7  }
0x9d: {  	[tilespmem:v17+s2+$0x0] =	vst.idx.msk $0xff, v12  }
0x9e: {  	v17 =	vld [tilespmem:s15+$0xFFFFFFA0]  }
0x9f: {  	v18 =	vld [tilespmem:s15+$0xFFFFFFB0]  }
0xa0: {  	v19 =	vld [tilespmem:s15+$0xFFFFFFC0]  }
0xa1: {  	v20 =	vld [tilespmem:s15+$0xFFFFFFD0]  }
0xa2: {  	v21 =	vld [tilespmem:s16+$0xFFFFFFA0]  }
0xa3: {  	v22 =	vld [tilespmem:s15+$0xFFFFFFE0]  }
0xa4: {  	v23 =	vld [tilespmem:s16+$0xFFFFFFB0]  }
0xa5: {  	v24 =	vld [tilespmem:s15+$0xFFFFFFF0]  }
0xa6: {  	v25 =	vld [tilespmem:s16+$0xFFFFFFC0]  }
0xa7: {  	v26 =	vld [tilespmem:s15+$0x0]  }
0xa8: {  	v27 =	vld [tilespmem:s16+$0xFFFFFFD0]  }
0xa9: {  	v28 =	vld [tilespmem:s15+$0x10]  }
0xaa: {  	v29 =	vld [tilespmem:s16+$0xFFFFFFE0]  }
0xab: {  	v30 =	vld [tilespmem:s16+$0xFFFFFFF0]  }
0xac: {  	v31 =	vld [tilespmem:s19+$0x18780]  }
0xad: {  	v17 =	vld.idx.msk [tilespmem:v17+s2+$0x0], $0xffff  }
0xae: {  	v18 =	vld.idx.msk [tilespmem:v18+s2+$0x0], $0xffff  }
0xaf: {  	v46 =	vld [tilespmem:s16+$0x0]  }
0xb0: {  	v19 =	vld.idx.msk [tilespmem:v19+s2+$0x0], $0xffff  }
0xb1: {  	v49 =	vld [tilespmem:s15+$0x40]  }
0xb2: {  	v21 =	vadd.f32 $0.0e+00, v21;
	v20 =	vld.idx.msk [tilespmem:v20+s2+$0x0], $0xffff  }
0xb3: {  	v51 =	vld [tilespmem:s16+$0x10];
	vm1 =	veq.f32 v17, v0;
	vm2 =	veq.f32 v18, v1  }
0xb4: {  	v22 =	vld.idx.msk [tilespmem:v22+s2+$0x0], $0xffff;
	v18 =	vnsel vm1, $0x0, v21;
	v45 =	vnsel vm2, $0x0, v23  }
0xb5: {  	v24 =	vld.idx.msk [tilespmem:v24+s2+$0x0], $0xffff;
	vm1 =	veq.f32 v19, v2;
	v18 =	vadd.f32 v45, v18  }
0xb6: {  	v19 =	vld [tilespmem:s15+$0x30];
	v47 =	vnsel vm1, $0x0, v25  }
0xb7: {  	v52 =	vld [tilespmem:s15+$0x50];
	vm1 =	veq.f32 v20, v3;
	v18 =	vadd.f32 v47, v18  }
0xb8: {  	v17 =	vld.idx.msk [tilespmem:v26+s2+$0x0], $0xffff;
	v50 =	vnsel vm1, $0x0, v27  }
0xb9: {  	v54 =	vld [tilespmem:s15+$0x60];
	vm1 =	veq.f32 v22, v4;
	v18 =	vadd.f32 v50, v18  }
0xba: {  	v48 =	vld.idx.msk [tilespmem:v28+s2+$0x0], $0xffff;
	v22 =	vnsel vm1, $0x0, v29  }
0xbb: {  	v55 =	vld [tilespmem:s19+$0x1A180];
	vm1 =	veq.f32 v24, v5;
	v18 =	vadd.f32 v22, v18  }
0xbc: {  	v53 =	vld.idx.msk [tilespmem:v31+s2+$0x0], $0xffff;
	v24 =	vnsel vm1, $0x0, v30  }
0xbd: {  	v56 =	vld [tilespmem:s16+$0x30];
	vm1 =	veq.f32 v17, v6;
	v18 =	vadd.f32 v24, v18  }
0xbe: {  	v17 =	vld.idx.msk [tilespmem:v19+s2+$0x0], $0xffff;
	v19 =	vnsel vm1, $0x0, v46  }
0xbf: {  	v58 =	vld [tilespmem:s16+$0x40];
	vm1 =	veq.f32 v48, v7;
	v18 =	vadd.f32 v19, v18  }
0xc0: {  	v57 =	vnsel vm1, $0x0, v51;
	v19 =	vld.idx.msk [tilespmem:v49+s2+$0x0], $0xffff  }
0xc1: {  	v61 =	vld [tilespmem:s16+$0x50];
	vm1 =	veq.f32 v53, v8;
	v18 =	vadd.f32 v57, v18  }
0xc2: {  	v59 =	vld.idx.msk [tilespmem:v52+s2+$0x0], $0xffff;
	v60 =	vnsel vm1, $0x0, v55  }
0xc3: {  	vm1 =	veq.f32 v17, v9;
	v17 =	vld.idx.msk [tilespmem:v54+s2+$0x0], $0xffff;
	v18 =	vadd.f32 v60, v18  }
0xc4: {  	v62 =	vnsel vm1, $0x0, v56  }
0xc5: {  	vm1 =	veq.f32 v19, v10;
	v19 =	vld [tilespmem:s16+$0x60];
	v18 =	vadd.f32 v62, v18  }
0xc6: {  	v63 =	vnsel vm1, $0x0, v58  }
0xc7: {  	vm1 =	veq.f32 v59, v11;
	v18 =	vadd.f32 v63, v18  }
0xc8: {  	vm2 =	veq.f32 v17, v12;
	v17 =	vnsel vm1, $0x0, v61  }
0xc9: {  	vm1 =	vmand vm2, vm0;
	v17 =	vadd.f32 v17, v18  }
0xca: {  	v18 =	vnsel vm1, $0x0, v19  }
0xcb: {  	v17 =	vadd.f32 v18, v17;
	_ =	sdelay $0x1  }
0xcc: {  	(xrf2) =	vadd.scan.msk.f32 $0xffff, v17;
	_ =	sdelay $0x7  }
0xcd: {  	p0 =	sne.s32 s18, $0x1F  }
.Ltmp1:
0xce: {  	_ = 	snop;
	(pc) =	sbr.rel @p0 .LBB2_4-.Ltmp1, $4  }
0xcf: {  	s31 =	sadd.s32 $0xFFFFFFF0, s18;
	v17, _, _ =	vpop (xrf2)  }
0xd0: {  	v19 =	vmov s31;
	v18 =	vmov s18;
	v17 =	vbroadcast v17, $0xF  }
0xd1: {  	s17 =	sadd.s32 $0xD0, s17;
	vm2 =	veq.s32 v19, v13;
	vm1 =	veq.s32 v18, v13  }
0xd2: {  	s15 =	sadd.s32 $0xD0, s15;
	s16 =	sadd.s32 $0xD0, s16;
	s18 =	sadd.s32 $0x1, s18;
	v16 =	vsel vm1, v17, v16;
	v15 =	vsel vm2, v17, v15  }
0xd3: {  	v17 =	vld [tilespmem:$0x1BB00];
	_ =	sdelay $0x4  }
0xd4: {  	v16 =	vadd.f32 v17, v16  }
0xd5: {  	v15 =	vadd.f32 v17, v15  }
0xd6: {  	vm1 =	vgt.f32 v16, $0.0e+00  }
0xd7: {  	s14 =	sadd.s32 $0x1, s14;
	v16 =	vsel vm1, $0x1, v14;
	vm1 =	vgt.f32 v15, $0.0e+00  }
0xd8: {  	p0 =	sne.s32 s14, s7;
	[tilespmem:$0x1BB80] =	vst v16;
	v15 =	vsel vm1, $0x1, v14  }
.Ltmp2:
0xd9: {  	[tilespmem:$0x1BB90] =	vst v15;
	(pc) =	sbr.rel @p0 .LBB2_1-.Ltmp2, $4  }
0xda: {  	[hbm4b:s6+s2] =	stream.linear.scatter [tilespmem:s13], [sflag:$0x1], $0x20, $0x38;
	[tilespmem:$0x1BC00] =	vst v63  }
0xdb: {  	_ =	swait.ge [sflag:s11], $0x20  }
0xdc: {  	[sflag:s11] =	ssyncset.done $0x0  }
0xdd: {  	[sflag:s11] =	ssyncadd.s32 $0xFFFFFFE0  }
0xde: {  	_ =	sfence.sel $0x180000  }
0xdf: {  	[bflag:$0x0] =	sbarrier.arrive $0xFFFF  }
0xe0: {  	p0 =	sne.s32 s0, $0x0;
	_ =	strace $0x90000047  }
0xe1: {  	s0 =	sadd.s32 @!p0 $0x100000, s1;
	[bflag:$0x2] =	sbarrier.arrive $0xFFFF  }
0xe2: {  	[sflag:s0] =	ssyncadd.tile.s32 @!p0 $0x1;
	_ =	shalt  }
.Lfunc_end2:
_tile_overlayer_lowered:
.L_overlay_start_2:
0xe3: {  	(tag) =	ssettag $0x2  }
0xe4: {  	s0 =	rddreg [dreg:$0x0];
	s2 =	stileid.u32  }
0xe5: {  	s1 =	rddreg [dreg:$0x1];
	p0 =	sne.s32 s2, $0x0  }
0xe6: {  	s3 =	rddreg [dreg:$0x2];
	[bflag:$0x3] =	sbarrier.arrive $0xFFFF;
	s2 =	simm.s32 @!p0 $0x1C01  }
0xe7: {  	[timem:s3], [sflag:s2] =	dma.local @!p0 [hbm:s0], s1  }
0xe8: {  	s0 =	simm.s32 @!p0 $0x1  }
0xe9: {  	_ =	swait.ge @!p0 [sflag:s0], s1  }
0xea: {  	s1 =	ssub.s32 @!p0 $0x0, s1;
	[sflag:s0] =	ssyncset.done @!p0 $0x0  }
0xeb: {  	[sflag:s0] =	ssyncadd.s32 @!p0 s1  }
0xec: {  	[bflag:$0x3] =	sbarrier.arrive $0xFFFF  }
0xed: {  	_ =	shalt  }

</sc_bundles>
